<compile_context>
chip_gen: v7x
topology: tpu7x:2x2x1
jax: 0.10.2.dev20260603
libtpu: 0.0.44.dev20260713+nightly
codegen_flags: <defaults>
</compile_context>

<pallas_src>
import functools

import jax
import jax.numpy as jnp
from jax import lax
from jax.experimental import pallas as pl
from jax.experimental.pallas import tpu as pltpu
from jax.experimental.pallas import tpu_sc as plsc

N = 10000
E = 160000
D_IN = 2048
D_HID = 1024
D_OUT = 512

NP = 10240
BIN = N
NSUB = 16
NCORE = 2
EPT = E // NSUB
EB = 128
NB = NP // EB
STRIPE = NP // NSUB
MT = 512

def _sc_mesh():
    return plsc.VectorSubcoreMesh(core_axis_name="c", subcore_axis_name="s")


def _deg_body(dsti, ones_h, zeros_h, deg_out, dst_v, ones_v, dacc):
    c = lax.axis_index("c")
    s = lax.axis_index("s")
    nb_half = NB // 2
    pltpu.sync_copy(dsti.at[s], dst_v)
    pltpu.sync_copy(ones_h, ones_v)
    pltpu.sync_copy(zeros_h, dacc.at[pl.ds(s * STRIPE, STRIPE)])
    plsc.subcore_barrier()

    def body(b, carry):
        pltpu.sync_copy(ones_v, dacc.at[dst_v.at[b]], add=True)
        return carry

    lax.fori_loop(c * nb_half, (c + 1) * nb_half, body, 0)
    plsc.subcore_barrier()
    pltpu.sync_copy(dacc.at[pl.ds(s * STRIPE, STRIPE)],
                    deg_out.at[pl.ds(c * NP + s * STRIPE, STRIPE)])


def _sc_degree(dst_idx, ones128, zeros128):
    f = pl.kernel(
        _deg_body,
        out_type=jax.ShapeDtypeStruct((NCORE * NP, EB), jnp.float32),
        mesh=_sc_mesh(),
        scratch_types=[
            pltpu.VMEM((NB, EB), jnp.int32),
            pltpu.VMEM((EB, EB), jnp.float32),
            pltpu.VMEM_SHARED((NP, EB), jnp.float32),
        ],
    )
    return f(dst_idx, ones128, zeros128).reshape(NCORE, NP, EB)


def _agg_body(nchunk, g_flat, combi, zeros_h, out_flat,
              idx_v, rows_a, rows_b, gsa, gsb, accum):
    c = lax.axis_index("c")
    s = lax.axis_index("s")
    cpc = nchunk // NCORE

    def chunk_body(cc, carry2):
        chunk = c * cpc + cc
        pltpu.sync_copy(zeros_h, accum.at[pl.ds(s * STRIPE, STRIPE)])
        plsc.subcore_barrier()

        def half_body(h, carryh):
            pltpu.sync_copy(combi.at[chunk, s].at[:, pl.ds(h * (NB // 2),
                                                           NB // 2)], idx_v)
            src_v = idx_v.at[0]
            dst_v = idx_v.at[1]

            def body(g, carry):
                b0 = 2 * g
                ga = pltpu.async_copy(g_flat.at[src_v.at[b0]], rows_a, gsa)
                gb = pltpu.async_copy(g_flat.at[src_v.at[b0 + 1]], rows_b,
                                      gsb)
                ga.wait()
                pltpu.sync_copy(rows_a, accum.at[dst_v.at[b0]], add=True)
                gb.wait()
                pltpu.sync_copy(rows_b, accum.at[dst_v.at[b0 + 1]], add=True)
                return carry

            lax.fori_loop(0, NB // 4, body, 0)
            return carryh

        lax.fori_loop(0, 2, half_body, 0)
        plsc.subcore_barrier()
        pltpu.sync_copy(accum.at[pl.ds(s * STRIPE, STRIPE)],
                        out_flat.at[pl.ds(chunk * NP + s * STRIPE, STRIPE)])
        plsc.subcore_barrier()
        return carry2

    lax.fori_loop(0, cpc, chunk_body, 0)


def _sc_aggregate(nchunk, g_flat, comb_idx, zeros128):
    f = pl.kernel(
        functools.partial(_agg_body, nchunk),
        out_type=jax.ShapeDtypeStruct((nchunk * NP, EB), jnp.float32),
        mesh=_sc_mesh(),
        scratch_types=[
            pltpu.VMEM((2, NB // 2, EB), jnp.int32),
            pltpu.VMEM((EB, EB), jnp.float32),
            pltpu.VMEM((EB, EB), jnp.float32),
            pltpu.SemaphoreType.DMA,
            pltpu.SemaphoreType.DMA,
            pltpu.VMEM_SHARED((NP, EB), jnp.float32),
        ],
    )
    return f(g_flat, comb_idx, zeros128)


def _dinv_of(deg_ref):
    return lax.rsqrt(deg_ref[0, :, 0:1] + deg_ref[1, :, 0:1] + 1.0)


def _mm_body(x_ref, w_ref, deg_ref, o_ref):
    dinv = _dinv_of(deg_ref)
    o_ref[0] = dinv * jnp.dot(x_ref[...].astype(jnp.bfloat16),
                              w_ref[...].astype(jnp.bfloat16),
                              preferred_element_type=jnp.float32)


def _mm_scaled(x, w, deg, nchunk):
    k = x.shape[1]
    return pl.pallas_call(
        _mm_body,
        grid=(NP // MT, nchunk),
        in_specs=[
            pl.BlockSpec((MT, k), lambda m, c: (m, 0)),
            pl.BlockSpec((k, EB), lambda m, c: (0, c)),
            pl.BlockSpec((NCORE, MT, EB), lambda m, c: (0, m, 0)),
        ],
        out_specs=pl.BlockSpec((1, MT, EB), lambda m, c: (c, m, 0)),
        out_shape=jax.ShapeDtypeStruct((nchunk, NP, EB), jnp.float32),
    )(x, w, deg)


def _ew_body(relu, agg_ref, g_ref, deg_ref, b_ref, o_ref):
    dinv = _dinv_of(deg_ref)
    v = dinv * (agg_ref[0] + g_ref[0]) + b_ref[0]
    o_ref[...] = jnp.maximum(v, 0.0) if relu else v


def _ew_combine(agg_cm, g_cm, deg, b, relu):
    nchunk = agg_cm.shape[0]
    return pl.pallas_call(
        functools.partial(_ew_body, relu),
        grid=(NP // MT, nchunk),
        in_specs=[
            pl.BlockSpec((1, MT, EB), lambda m, c: (c, m, 0)),
            pl.BlockSpec((1, MT, EB), lambda m, c: (c, m, 0)),
            pl.BlockSpec((NCORE, MT, EB), lambda m, c: (0, m, 0)),
            pl.BlockSpec((1, EB), lambda m, c: (0, c)),
        ],
        out_specs=pl.BlockSpec((MT, EB), lambda m, c: (m, c)),
        out_shape=jax.ShapeDtypeStruct((NP, nchunk * EB), jnp.float32),
    )(agg_cm, g_cm, deg, b.reshape(1, -1))


def kernel(x, edge_index, W1, b1, W2, b2):
    src = edge_index[0].astype(jnp.int32)
    dst = edge_index[1].astype(jnp.int32)

    srcr = jnp.pad(src.reshape(NSUB, EPT), ((0, 0), (0, NP - EPT)))
    dstr = jnp.pad(dst.reshape(NSUB, EPT), ((0, 0), (0, NP - EPT)),
                   constant_values=BIN)
    dst_idx = dstr.reshape(NSUB, NB, EB)
    shifts8 = (jnp.arange(8, dtype=jnp.int32) * NP)[:, None, None, None]
    src_idx8 = (srcr.reshape(1, NSUB, NB, EB) + shifts8)
    dst_b = jnp.broadcast_to(dst_idx[None], (8, NSUB, NB, EB))
    comb8 = jnp.stack([src_idx8, dst_b], axis=2)
    comb4 = comb8[:4]

    ones128 = jnp.ones((EB, EB), jnp.float32)
    zeros128 = jnp.zeros((STRIPE, EB), jnp.float32)

    x_pad = jnp.pad(x, ((0, NP - N), (0, 0)))

    deg = _sc_degree(dst_idx, ones128, zeros128)

    g1_cm = _mm_scaled(x_pad, W1, deg, D_HID // EB)
    agg1 = _sc_aggregate(8, g1_cm.reshape(8 * NP, EB), comb8,
                         zeros128).reshape(8, NP, EB)
    h1 = _ew_combine(agg1, g1_cm, deg, b1, relu=True)

    g2_cm = _mm_scaled(h1, W2, deg, D_OUT // EB)
    agg2 = _sc_aggregate(4, g2_cm.reshape(4 * NP, EB), comb4,
                         zeros128).reshape(4, NP, EB)
    out = _ew_combine(agg2, g2_cm, deg, b2, relu=False)
    return out[:N]

# --- scband reference (transcript-rebuilt; emitter-appended) ---
"""Pipeline reference for scband-my-gcnmodel-58179626992410 (READ-ONLY COPY).

The authoritative reference and input builder live on the scoring server;
editing this copy changes nothing except your own understanding.
"""

import jax, jax.numpy as jnp
import numpy as np

N = 10000
E = 160000
D_IN = 2048
D_HID = 1024
D_OUT = 512


def setup_inputs(seed: int = 0) -> dict:
    key = jax.random.key(seed)
    ks = jax.random.split(key, 6)
    x = jax.random.normal(ks[0], (N, D_IN), dtype=jnp.float32)
    edge_index = jax.random.randint(ks[1], (2, E), 0, N, dtype=jnp.int32)
    W1 = jax.random.normal(ks[2], (D_IN, D_HID), dtype=jnp.float32) * (1.0 / np.sqrt(D_IN))
    b1 = jnp.zeros((D_HID,), dtype=jnp.float32)
    W2 = jax.random.normal(ks[3], (D_HID, D_OUT), dtype=jnp.float32) * (1.0 / np.sqrt(D_HID))
    b2 = jnp.zeros((D_OUT,), dtype=jnp.float32)
    return {"x": x, "edge_index": edge_index, "W1": W1, "b1": b1, "W2": W2, "b2": b2}


def _gcn_conv(x, src, dst, W, b, n):
    # linear transform
    h = x @ W
    # add self-loops
    loop = jnp.arange(n, dtype=src.dtype)
    src2 = jnp.concatenate([src, loop])
    dst2 = jnp.concatenate([dst, loop])
    # symmetric normalization deg^{-1/2} (GCN norm)
    deg = jax.ops.segment_sum(jnp.ones_like(dst2, dtype=h.dtype), dst2, num_segments=n)
    dinv = jnp.where(deg > 0, jax.lax.rsqrt(jnp.maximum(deg, 1e-12)), 0.0)
    norm = dinv[src2] * dinv[dst2]
    # gather messages from source nodes, scale, scatter-add to destinations
    msgs = h[src2] * norm[:, None]
    out = jax.ops.segment_sum(msgs, dst2, num_segments=n)
    return out + b


def reference(x, edge_index, W1, b1, W2, b2):
    src = edge_index[0]
    dst = edge_index[1]
    n = x.shape[0]
    # MyGCN with num_layers=2: conv1 -> relu -> conv2 (middle ModuleList is empty)
    h = _gcn_conv(x, src, dst, W1, b1, n)
    h = jax.nn.relu(h)
    out = _gcn_conv(h, src, dst, W2, b2, n)
    return out

if __name__ == "__main__":
    import jax
    _d = setup_inputs()
    print(jax.jit(kernel)(*tuple(_d.values())))

</pallas_src>

<mosaic_0001>
#map = affine_map<(d0, d1) -> (0, 0)>
#map1 = affine_map<(d0, d1) -> (0, 0, 0, 0, 0)>
module attributes {stable_mosaic.version = 14 : i64} {
  func.func @_agg_body(%arg0: i32, %arg1: i32, %arg2: memref<40960x128xf32, #tpu.memory_space<hbm>>, %arg3: memref<4x16x2x80x128xi32, #tpu.memory_space<hbm>>, %arg4: memref<640x128xf32, #tpu.memory_space<hbm>>, %arg5: memref<40960x128xf32, #tpu.memory_space<hbm>>, %arg6: memref<2x40x128xi32, #tpu.memory_space<vmem>>, %arg7: memref<128x128xf32, #tpu.memory_space<vmem>>, %arg8: memref<128x128xf32, #tpu.memory_space<vmem>>, %arg9: memref<!tpu.dma_semaphore, #tpu.memory_space<semaphore_mem>>, %arg10: memref<!tpu.dma_semaphore, #tpu.memory_space<semaphore_mem>>, %arg11: memref<10240x128xf32, #tpu.memory_space<vmem_shared>>) attributes {dimension_semantics = [#tpu.dimension_semantics<core_parallel>, #tpu.dimension_semantics<subcore_parallel>], iteration_bounds = array<i64: 2, 16>, scalar_prefetch = 0 : i64, scratch_operands = 6 : i64, tpu.core_type = #tpu.core_type<sc_vector_subcore>, window_params = [{transform_indices = #map}, {transform_indices = #map1}, {transform_indices = #map}, {transform_indices = #map}]} {
    %scan3A = arith.constant 0 : i32
    %scan3A_0 = arith.constant 0 : i32
    %scan3A_1 = arith.constant 2 : i32
    %scan3A_2 = arith.addi %scan3A_0, %scan3A_1 : i32
    %scan3A_3 = arith.constant 1 : i32
    scf.for %scan3A_5 = %scan3A_0 to %scan3A_2 step %scan3A_3  : i32 {
      %mul3A = arith.constant 2 : i32
      %mul3A_6 = arith.muli %arg0, %mul3A : i32
      %add3A = arith.addi %mul3A_6, %scan3A_5 : i32
      %mul3A_7 = arith.constant 640 : i32
      %mul3A_8 = arith.muli %arg1, %mul3A_7 : i32
      "tpu.region"() ({
        %run_scoped3A = tpu.sem_alloc : memref<!tpu.dma_semaphore, #tpu.memory_space<semaphore_mem>>
        %dma_start3A = arith.constant 0 : i32
        %dma_start3A_24 = tpu.memref_slice %arg11[%mul3A_8, %dma_start3A] : memref<10240x128xf32, #tpu.memory_space<vmem_shared>> -> memref<640x128xf32, #tpu.memory_space<vmem_shared>>
        tpu.enqueue_dma source(%arg4 : memref<640x128xf32, #tpu.memory_space<hbm>>) target(%dma_start3A_24 : memref<640x128xf32, #tpu.memory_space<vmem_shared>>) target_semaphore(%run_scoped3A : memref<!tpu.dma_semaphore, #tpu.memory_space<semaphore_mem>>)
        %dma_wait3A = arith.constant 0 : i32
        %dma_wait3A_25 = tpu.memref_slice %arg11[%mul3A_8, %dma_wait3A] : memref<10240x128xf32, #tpu.memory_space<vmem_shared>> -> memref<640x128xf32, #tpu.memory_space<vmem_shared>>
        tpu.wait_dma2 semaphore(%run_scoped3A : memref<!tpu.dma_semaphore, #tpu.memory_space<semaphore_mem>>) src(%arg4 : memref<640x128xf32, #tpu.memory_space<hbm>>) dst(%dma_wait3A_25 : memref<640x128xf32, #tpu.memory_space<vmem_shared>>)
        tpu.yield
      }) : () -> ()
      %barrier3A = arith.constant 0 : index
      tpu.barrier barrier_id(%barrier3A)
      %scan3A_9 = arith.constant 0 : i32
      %scan3A_10 = arith.constant 0 : i32
      %scan3A_11 = arith.constant 2 : i32
      %scan3A_12 = arith.addi %scan3A_10, %scan3A_11 : i32
      %scan3A_13 = arith.constant 1 : i32
      scf.for %scan3A_24 = %scan3A_10 to %scan3A_12 step %scan3A_13  : i32 {
        %mul3A_25 = arith.constant 40 : i32
        %mul3A_26 = arith.muli %scan3A_24, %mul3A_25 : i32
        "tpu.region"() ({
          %run_scoped3A = tpu.sem_alloc : memref<!tpu.dma_semaphore, #tpu.memory_space<semaphore_mem>>
          %dma_start3A = arith.constant 0 : i32
          %dma_start3A_35 = arith.constant 0 : i32
          %dma_start3A_36 = arith.constant 0 : i32
          %dma_start3A_37 = tpu.memref_slice %arg3[%add3A, %arg1, %dma_start3A, %dma_start3A_35, %dma_start3A_36] : memref<4x16x2x80x128xi32, #tpu.memory_space<hbm>> -> memref<1x1x2x80x128xi32, #tpu.memory_space<hbm>>
          %dma_start3A_38 = tpu.memref_squeeze %dma_start3A_37 : memref<1x1x2x80x128xi32, #tpu.memory_space<hbm>> -> memref<2x80x128xi32, #tpu.memory_space<hbm>>
          %dma_start3A_39 = arith.constant 0 : i32
          %dma_start3A_40 = arith.constant 0 : i32
          %dma_start3A_41 = tpu.memref_slice %dma_start3A_38[%dma_start3A_39, %mul3A_26, %dma_start3A_40] : memref<2x80x128xi32, #tpu.memory_space<hbm>> -> memref<2x40x128xi32, #tpu.memory_space<hbm>>
          %dma_start3A_42 = arith.constant 0 : i32
          %dma_start3A_43 = arith.constant 0 : i32
          %dma_start3A_44 = arith.constant 0 : i32
          %dma_start3A_45 = tpu.memref_slice %arg3[%add3A, %arg1, %dma_start3A_42, %dma_start3A_43, %dma_start3A_44] : memref<4x16x2x80x128xi32, #tpu.memory_space<hbm>> -> memref<1x1x2x80x128xi32, #tpu.memory_space<hbm>>
          %dma_start3A_46 = tpu.memref_squeeze %dma_start3A_45 : memref<1x1x2x80x128xi32, #tpu.memory_space<hbm>> -> memref<2x80x128xi32, #tpu.memory_space<hbm>>
          %dma_start3A_47 = arith.constant 0 : i32
          %dma_start3A_48 = arith.constant 0 : i32
          %dma_start3A_49 = tpu.memref_slice %dma_start3A_46[%dma_start3A_47, %mul3A_26, %dma_start3A_48] : memref<2x80x128xi32, #tpu.memory_space<hbm>> -> memref<2x40x128xi32, #tpu.memory_space<hbm>>
          tpu.enqueue_dma source(%dma_start3A_49 : memref<2x40x128xi32, #tpu.memory_space<hbm>>) target(%arg6 : memref<2x40x128xi32, #tpu.memory_space<vmem>>) target_semaphore(%run_scoped3A : memref<!tpu.dma_semaphore, #tpu.memory_space<semaphore_mem>>)
          %dma_wait3A = arith.constant 0 : i32
          %dma_wait3A_50 = arith.constant 0 : i32
          %dma_wait3A_51 = arith.constant 0 : i32
          %dma_wait3A_52 = tpu.memref_slice %arg3[%add3A, %arg1, %dma_wait3A, %dma_wait3A_50, %dma_wait3A_51] : memref<4x16x2x80x128xi32, #tpu.memory_space<hbm>> -> memref<1x1x2x80x128xi32, #tpu.memory_space<hbm>>
          %dma_wait3A_53 = tpu.memref_squeeze %dma_wait3A_52 : memref<1x1x2x80x128xi32, #tpu.memory_space<hbm>> -> memref<2x80x128xi32, #tpu.memory_space<hbm>>
          %dma_wait3A_54 = arith.constant 0 : i32
          %dma_wait3A_55 = arith.constant 0 : i32
          %dma_wait3A_56 = tpu.memref_slice %dma_wait3A_53[%dma_wait3A_54, %mul3A_26, %dma_wait3A_55] : memref<2x80x128xi32, #tpu.memory_space<hbm>> -> memref<2x40x128xi32, #tpu.memory_space<hbm>>
          %dma_wait3A_57 = arith.constant 0 : i32
          %dma_wait3A_58 = arith.constant 0 : i32
          %dma_wait3A_59 = arith.constant 0 : i32
          %dma_wait3A_60 = tpu.memref_slice %arg3[%add3A, %arg1, %dma_wait3A_57, %dma_wait3A_58, %dma_wait3A_59] : memref<4x16x2x80x128xi32, #tpu.memory_space<hbm>> -> memref<1x1x2x80x128xi32, #tpu.memory_space<hbm>>
          %dma_wait3A_61 = tpu.memref_squeeze %dma_wait3A_60 : memref<1x1x2x80x128xi32, #tpu.memory_space<hbm>> -> memref<2x80x128xi32, #tpu.memory_space<hbm>>
          %dma_wait3A_62 = arith.constant 0 : i32
          %dma_wait3A_63 = arith.constant 0 : i32
          %dma_wait3A_64 = tpu.memref_slice %dma_wait3A_61[%dma_wait3A_62, %mul3A_26, %dma_wait3A_63] : memref<2x80x128xi32, #tpu.memory_space<hbm>> -> memref<2x40x128xi32, #tpu.memory_space<hbm>>
          tpu.wait_dma2 semaphore(%run_scoped3A : memref<!tpu.dma_semaphore, #tpu.memory_space<semaphore_mem>>) src(%dma_wait3A_64 : memref<2x40x128xi32, #tpu.memory_space<hbm>>) dst(%arg6 : memref<2x40x128xi32, #tpu.memory_space<vmem>>)
          tpu.yield
        }) : () -> ()
        %scan3A_27 = arith.constant 0 : i32
        %scan3A_28 = arith.constant 0 : i32
        %scan3A_29 = arith.constant 1 : i32
        %scan3A_30 = arith.constant 0 : i32
        %scan3A_31 = arith.constant 20 : i32
        %scan3A_32 = arith.addi %scan3A_30, %scan3A_31 : i32
        %scan3A_33 = arith.constant 1 : i32
        scf.for %scan3A_35 = %scan3A_30 to %scan3A_32 step %scan3A_33  : i32 {
          %mul3A_36 = arith.constant 2 : i32
          %mul3A_37 = arith.muli %mul3A_36, %scan3A_35 : i32
          %dma_start3A = arith.constant 0 : i32
          %dma_start3A_38 = arith.constant 0 : i32
          %dma_start3A_39 = tpu.memref_slice %arg6[%scan3A_28, %dma_start3A, %dma_start3A_38] : memref<2x40x128xi32, #tpu.memory_space<vmem>> -> memref<1x40x128xi32, #tpu.memory_space<vmem>>
          %dma_start3A_40 = tpu.memref_squeeze %dma_start3A_39 : memref<1x40x128xi32, #tpu.memory_space<vmem>> -> memref<40x128xi32, #tpu.memory_space<vmem>>
          %dma_start3A_41 = arith.constant 0 : i32
          %dma_start3A_42 = tpu.memref_slice %dma_start3A_40[%mul3A_37, %dma_start3A_41] : memref<40x128xi32, #tpu.memory_space<vmem>> -> memref<1x128xi32, #tpu.memory_space<vmem>>
          %dma_start3A_43 = tpu.memref_squeeze %dma_start3A_42 : memref<1x128xi32, #tpu.memory_space<vmem>> -> memref<128xi32, #tpu.memory_space<vmem>>
          %dma_start3A_44 = arith.constant 0 : i32
          %dma_start3A_45 = arith.constant 0 : i32
          %dma_start3A_46 = tpu.memref_slice %arg2[%dma_start3A_44, %dma_start3A_45] : memref<40960x128xf32, #tpu.memory_space<hbm>> -> memref<40960x128xf32, #tpu.memory_space<hbm>>
          tpu.enqueue_indirect_dma source(%dma_start3A_46 : memref<40960x128xf32, #tpu.memory_space<hbm>>) target(%arg7 : memref<128x128xf32, #tpu.memory_space<vmem>>) offsets(%dma_start3A_43 : memref<128xi32, #tpu.memory_space<vmem>>) semaphore(%arg9 : memref<!tpu.dma_semaphore, #tpu.memory_space<semaphore_mem>>)
          %add3A_47 = arith.constant 1 : i32
          %add3A_48 = arith.addi %mul3A_37, %add3A_47 : i32
          %dma_start3A_49 = arith.constant 0 : i32
          %dma_start3A_50 = arith.constant 0 : i32
          %dma_start3A_51 = tpu.memref_slice %arg6[%scan3A_28, %dma_start3A_49, %dma_start3A_50] : memref<2x40x128xi32, #tpu.memory_space<vmem>> -> memref<1x40x128xi32, #tpu.memory_space<vmem>>
          %dma_start3A_52 = tpu.memref_squeeze %dma_start3A_51 : memref<1x40x128xi32, #tpu.memory_space<vmem>> -> memref<40x128xi32, #tpu.memory_space<vmem>>
          %dma_start3A_53 = arith.constant 0 : i32
          %dma_start3A_54 = tpu.memref_slice %dma_start3A_52[%add3A_48, %dma_start3A_53] : memref<40x128xi32, #tpu.memory_space<vmem>> -> memref<1x128xi32, #tpu.memory_space<vmem>>
          %dma_start3A_55 = tpu.memref_squeeze %dma_start3A_54 : memref<1x128xi32, #tpu.memory_space<vmem>> -> memref<128xi32, #tpu.memory_space<vmem>>
          %dma_start3A_56 = arith.constant 0 : i32
          %dma_start3A_57 = arith.constant 0 : i32
          %dma_start3A_58 = tpu.memref_slice %arg2[%dma_start3A_56, %dma_start3A_57] : memref<40960x128xf32, #tpu.memory_space<hbm>> -> memref<40960x128xf32, #tpu.memory_space<hbm>>
          tpu.enqueue_indirect_dma source(%dma_start3A_58 : memref<40960x128xf32, #tpu.memory_space<hbm>>) target(%arg8 : memref<128x128xf32, #tpu.memory_space<vmem>>) offsets(%dma_start3A_55 : memref<128xi32, #tpu.memory_space<vmem>>) semaphore(%arg10 : memref<!tpu.dma_semaphore, #tpu.memory_space<semaphore_mem>>)
          %dma_wait3A = arith.constant 0 : i32
          %dma_wait3A_59 = arith.constant 0 : i32
          %dma_wait3A_60 = tpu.memref_slice %arg6[%scan3A_28, %dma_wait3A, %dma_wait3A_59] : memref<2x40x128xi32, #tpu.memory_space<vmem>> -> memref<1x40x128xi32, #tpu.memory_space<vmem>>
          %dma_wait3A_61 = tpu.memref_squeeze %dma_wait3A_60 : memref<1x40x128xi32, #tpu.memory_space<vmem>> -> memref<40x128xi32, #tpu.memory_space<vmem>>
          %dma_wait3A_62 = arith.constant 0 : i32
          %dma_wait3A_63 = tpu.memref_slice %dma_wait3A_61[%mul3A_37, %dma_wait3A_62] : memref<40x128xi32, #tpu.memory_space<vmem>> -> memref<1x128xi32, #tpu.memory_space<vmem>>
          %dma_wait3A_64 = tpu.memref_squeeze %dma_wait3A_63 : memref<1x128xi32, #tpu.memory_space<vmem>> -> memref<128xi32, #tpu.memory_space<vmem>>
          %dma_wait3A_65 = arith.constant 0 : i32
          %dma_wait3A_66 = arith.constant 0 : i32
          %dma_wait3A_67 = tpu.memref_slice %arg2[%dma_wait3A_65, %dma_wait3A_66] : memref<40960x128xf32, #tpu.memory_space<hbm>> -> memref<40960x128xf32, #tpu.memory_space<hbm>>
          tpu.wait_indirect_dma semaphore(%arg9 : memref<!tpu.dma_semaphore, #tpu.memory_space<semaphore_mem>>) src(%dma_wait3A_67 : memref<40960x128xf32, #tpu.memory_space<hbm>>) dst(%arg7 : memref<128x128xf32, #tpu.memory_space<vmem>>)
          "tpu.region"() ({
            %run_scoped3A = tpu.sem_alloc : memref<!tpu.dma_semaphore, #tpu.memory_space<semaphore_mem>>
            %dma_start3A_80 = arith.constant 0 : i32
            %dma_start3A_81 = arith.constant 0 : i32
            %dma_start3A_82 = tpu.memref_slice %arg6[%scan3A_29, %dma_start3A_80, %dma_start3A_81] : memref<2x40x128xi32, #tpu.memory_space<vmem>> -> memref<1x40x128xi32, #tpu.memory_space<vmem>>
            %dma_start3A_83 = tpu.memref_squeeze %dma_start3A_82 : memref<1x40x128xi32, #tpu.memory_space<vmem>> -> memref<40x128xi32, #tpu.memory_space<vmem>>
            %dma_start3A_84 = arith.constant 0 : i32
            %dma_start3A_85 = tpu.memref_slice %dma_start3A_83[%mul3A_37, %dma_start3A_84] : memref<40x128xi32, #tpu.memory_space<vmem>> -> memref<1x128xi32, #tpu.memory_space<vmem>>
            %dma_start3A_86 = tpu.memref_squeeze %dma_start3A_85 : memref<1x128xi32, #tpu.memory_space<vmem>> -> memref<128xi32, #tpu.memory_space<vmem>>
            %dma_start3A_87 = arith.constant 0 : i32
            %dma_start3A_88 = arith.constant 0 : i32
            %dma_start3A_89 = tpu.memref_slice %arg11[%dma_start3A_87, %dma_start3A_88] : memref<10240x128xf32, #tpu.memory_space<vmem_shared>> -> memref<10240x128xf32, #tpu.memory_space<vmem_shared>>
            tpu.enqueue_indirect_dma source(%arg7 : memref<128x128xf32, #tpu.memory_space<vmem>>) target(%dma_start3A_89 : memref<10240x128xf32, #tpu.memory_space<vmem_shared>>) offsets(%dma_start3A_86 : memref<128xi32, #tpu.memory_space<vmem>>) semaphore(%run_scoped3A : memref<!tpu.dma_semaphore, #tpu.memory_space<semaphore_mem>>) {add = true}
            %dma_wait3A_90 = arith.constant 0 : i32
            %dma_wait3A_91 = arith.constant 0 : i32
            %dma_wait3A_92 = tpu.memref_slice %arg6[%scan3A_29, %dma_wait3A_90, %dma_wait3A_91] : memref<2x40x128xi32, #tpu.memory_space<vmem>> -> memref<1x40x128xi32, #tpu.memory_space<vmem>>
            %dma_wait3A_93 = tpu.memref_squeeze %dma_wait3A_92 : memref<1x40x128xi32, #tpu.memory_space<vmem>> -> memref<40x128xi32, #tpu.memory_space<vmem>>
            %dma_wait3A_94 = arith.constant 0 : i32
            %dma_wait3A_95 = tpu.memref_slice %dma_wait3A_93[%mul3A_37, %dma_wait3A_94] : memref<40x128xi32, #tpu.memory_space<vmem>> -> memref<1x128xi32, #tpu.memory_space<vmem>>
            %dma_wait3A_96 = tpu.memref_squeeze %dma_wait3A_95 : memref<1x128xi32, #tpu.memory_space<vmem>> -> memref<128xi32, #tpu.memory_space<vmem>>
            %dma_wait3A_97 = arith.constant 0 : i32
            %dma_wait3A_98 = arith.constant 0 : i32
            %dma_wait3A_99 = tpu.memref_slice %arg11[%dma_wait3A_97, %dma_wait3A_98] : memref<10240x128xf32, #tpu.memory_space<vmem_shared>> -> memref<10240x128xf32, #tpu.memory_space<vmem_shared>>
            tpu.wait_indirect_dma semaphore(%run_scoped3A : memref<!tpu.dma_semaphore, #tpu.memory_space<semaphore_mem>>) src(%arg7 : memref<128x128xf32, #tpu.memory_space<vmem>>) dst(%dma_wait3A_99 : memref<10240x128xf32, #tpu.memory_space<vmem_shared>>)
            tpu.yield
          }) : () -> ()
          %dma_wait3A_68 = arith.constant 0 : i32
          %dma_wait3A_69 = arith.constant 0 : i32
          %dma_wait3A_70 = tpu.memref_slice %arg6[%scan3A_28, %dma_wait3A_68, %dma_wait3A_69] : memref<2x40x128xi32, #tpu.memory_space<vmem>> -> memref<1x40x128xi32, #tpu.memory_space<vmem>>
          %dma_wait3A_71 = tpu.memref_squeeze %dma_wait3A_70 : memref<1x40x128xi32, #tpu.memory_space<vmem>> -> memref<40x128xi32, #tpu.memory_space<vmem>>
          %dma_wait3A_72 = arith.constant 0 : i32
          %dma_wait3A_73 = tpu.memref_slice %dma_wait3A_71[%add3A_48, %dma_wait3A_72] : memref<40x128xi32, #tpu.memory_space<vmem>> -> memref<1x128xi32, #tpu.memory_space<vmem>>
          %dma_wait3A_74 = tpu.memref_squeeze %dma_wait3A_73 : memref<1x128xi32, #tpu.memory_space<vmem>> -> memref<128xi32, #tpu.memory_space<vmem>>
          %dma_wait3A_75 = arith.constant 0 : i32
          %dma_wait3A_76 = arith.constant 0 : i32
          %dma_wait3A_77 = tpu.memref_slice %arg2[%dma_wait3A_75, %dma_wait3A_76] : memref<40960x128xf32, #tpu.memory_space<hbm>> -> memref<40960x128xf32, #tpu.memory_space<hbm>>
          tpu.wait_indirect_dma semaphore(%arg10 : memref<!tpu.dma_semaphore, #tpu.memory_space<semaphore_mem>>) src(%dma_wait3A_77 : memref<40960x128xf32, #tpu.memory_space<hbm>>) dst(%arg8 : memref<128x128xf32, #tpu.memory_space<vmem>>)
          %add3A_78 = arith.constant 1 : i32
          %add3A_79 = arith.addi %mul3A_37, %add3A_78 : i32
          "tpu.region"() ({
            %run_scoped3A = tpu.sem_alloc : memref<!tpu.dma_semaphore, #tpu.memory_space<semaphore_mem>>
            %dma_start3A_80 = arith.constant 0 : i32
            %dma_start3A_81 = arith.constant 0 : i32
            %dma_start3A_82 = tpu.memref_slice %arg6[%scan3A_29, %dma_start3A_80, %dma_start3A_81] : memref<2x40x128xi32, #tpu.memory_space<vmem>> -> memref<1x40x128xi32, #tpu.memory_space<vmem>>
            %dma_start3A_83 = tpu.memref_squeeze %dma_start3A_82 : memref<1x40x128xi32, #tpu.memory_space<vmem>> -> memref<40x128xi32, #tpu.memory_space<vmem>>
            %dma_start3A_84 = arith.constant 0 : i32
            %dma_start3A_85 = tpu.memref_slice %dma_start3A_83[%add3A_79, %dma_start3A_84] : memref<40x128xi32, #tpu.memory_space<vmem>> -> memref<1x128xi32, #tpu.memory_space<vmem>>
            %dma_start3A_86 = tpu.memref_squeeze %dma_start3A_85 : memref<1x128xi32, #tpu.memory_space<vmem>> -> memref<128xi32, #tpu.memory_space<vmem>>
            %dma_start3A_87 = arith.constant 0 : i32
            %dma_start3A_88 = arith.constant 0 : i32
            %dma_start3A_89 = tpu.memref_slice %arg11[%dma_start3A_87, %dma_start3A_88] : memref<10240x128xf32, #tpu.memory_space<vmem_shared>> -> memref<10240x128xf32, #tpu.memory_space<vmem_shared>>
            tpu.enqueue_indirect_dma source(%arg8 : memref<128x128xf32, #tpu.memory_space<vmem>>) target(%dma_start3A_89 : memref<10240x128xf32, #tpu.memory_space<vmem_shared>>) offsets(%dma_start3A_86 : memref<128xi32, #tpu.memory_space<vmem>>) semaphore(%run_scoped3A : memref<!tpu.dma_semaphore, #tpu.memory_space<semaphore_mem>>) {add = true}
            %dma_wait3A_90 = arith.constant 0 : i32
            %dma_wait3A_91 = arith.constant 0 : i32
            %dma_wait3A_92 = tpu.memref_slice %arg6[%scan3A_29, %dma_wait3A_90, %dma_wait3A_91] : memref<2x40x128xi32, #tpu.memory_space<vmem>> -> memref<1x40x128xi32, #tpu.memory_space<vmem>>
            %dma_wait3A_93 = tpu.memref_squeeze %dma_wait3A_92 : memref<1x40x128xi32, #tpu.memory_space<vmem>> -> memref<40x128xi32, #tpu.memory_space<vmem>>
            %dma_wait3A_94 = arith.constant 0 : i32
            %dma_wait3A_95 = tpu.memref_slice %dma_wait3A_93[%add3A_79, %dma_wait3A_94] : memref<40x128xi32, #tpu.memory_space<vmem>> -> memref<1x128xi32, #tpu.memory_space<vmem>>
            %dma_wait3A_96 = tpu.memref_squeeze %dma_wait3A_95 : memref<1x128xi32, #tpu.memory_space<vmem>> -> memref<128xi32, #tpu.memory_space<vmem>>
            %dma_wait3A_97 = arith.constant 0 : i32
            %dma_wait3A_98 = arith.constant 0 : i32
            %dma_wait3A_99 = tpu.memref_slice %arg11[%dma_wait3A_97, %dma_wait3A_98] : memref<10240x128xf32, #tpu.memory_space<vmem_shared>> -> memref<10240x128xf32, #tpu.memory_space<vmem_shared>>
            tpu.wait_indirect_dma semaphore(%run_scoped3A : memref<!tpu.dma_semaphore, #tpu.memory_space<semaphore_mem>>) src(%arg8 : memref<128x128xf32, #tpu.memory_space<vmem>>) dst(%dma_wait3A_99 : memref<10240x128xf32, #tpu.memory_space<vmem_shared>>)
            tpu.yield
          }) : () -> ()
        }
        %scan3A_34 = arith.constant 20 : i32
      }
      %scan3A_14 = arith.constant 2 : i32
      %barrier3A_15 = arith.constant 0 : index
      tpu.barrier barrier_id(%barrier3A_15)
      %mul3A_16 = arith.constant 640 : i32
      %mul3A_17 = arith.muli %arg1, %mul3A_16 : i32
      %mul3A_18 = arith.constant 10240 : i32
      %mul3A_19 = arith.muli %add3A, %mul3A_18 : i32
      %mul3A_20 = arith.constant 640 : i32
      %mul3A_21 = arith.muli %arg1, %mul3A_20 : i32
      %add3A_22 = arith.addi %mul3A_19, %mul3A_21 : i32
      "tpu.region"() ({
        %run_scoped3A = tpu.sem_alloc : memref<!tpu.dma_semaphore, #tpu.memory_space<semaphore_mem>>
        %dma_start3A = arith.constant 0 : i32
        %dma_start3A_24 = tpu.memref_slice %arg5[%add3A_22, %dma_start3A] : memref<40960x128xf32, #tpu.memory_space<hbm>> -> memref<640x128xf32, #tpu.memory_space<hbm>>
        %dma_start3A_25 = arith.constant 0 : i32
        %dma_start3A_26 = tpu.memref_slice %arg11[%mul3A_17, %dma_start3A_25] : memref<10240x128xf32, #tpu.memory_space<vmem_shared>> -> memref<640x128xf32, #tpu.memory_space<vmem_shared>>
        tpu.enqueue_dma source(%dma_start3A_26 : memref<640x128xf32, #tpu.memory_space<vmem_shared>>) target(%dma_start3A_24 : memref<640x128xf32, #tpu.memory_space<hbm>>) target_semaphore(%run_scoped3A : memref<!tpu.dma_semaphore, #tpu.memory_space<semaphore_mem>>)
        %dma_wait3A = arith.constant 0 : i32
        %dma_wait3A_27 = tpu.memref_slice %arg5[%add3A_22, %dma_wait3A] : memref<40960x128xf32, #tpu.memory_space<hbm>> -> memref<640x128xf32, #tpu.memory_space<hbm>>
        %dma_wait3A_28 = arith.constant 0 : i32
        %dma_wait3A_29 = tpu.memref_slice %arg11[%mul3A_17, %dma_wait3A_28] : memref<10240x128xf32, #tpu.memory_space<vmem_shared>> -> memref<640x128xf32, #tpu.memory_space<vmem_shared>>
        tpu.wait_dma2 semaphore(%run_scoped3A : memref<!tpu.dma_semaphore, #tpu.memory_space<semaphore_mem>>) src(%dma_wait3A_29 : memref<640x128xf32, #tpu.memory_space<vmem_shared>>) dst(%dma_wait3A_27 : memref<640x128xf32, #tpu.memory_space<hbm>>)
        tpu.yield
      }) : () -> ()
      %barrier3A_23 = arith.constant 0 : index
      tpu.barrier barrier_id(%barrier3A_23)
    }
    %scan3A_4 = arith.constant 2 : i32
    return
  }
}

#map = affine_map<(d0, d1) -> (0, 0, 0)>
#map1 = affine_map<(d0, d1) -> (0, 0)>
module attributes {stable_mosaic.version = 14 : i64} {
  func.func @_deg_body(%arg0: i32, %arg1: i32, %arg2: memref<16x80x128xi32, #tpu.memory_space<hbm>>, %arg3: memref<128x128xf32, #tpu.memory_space<hbm>>, %arg4: memref<640x128xf32, #tpu.memory_space<hbm>>, %arg5: memref<20480x128xf32, #tpu.memory_space<hbm>>, %arg6: memref<80x128xi32, #tpu.memory_space<vmem>>, %arg7: memref<128x128xf32, #tpu.memory_space<vmem>>, %arg8: memref<10240x128xf32, #tpu.memory_space<vmem_shared>>) attributes {dimension_semantics = [#tpu.dimension_semantics<core_parallel>, #tpu.dimension_semantics<subcore_parallel>], iteration_bounds = array<i64: 2, 16>, scalar_prefetch = 0 : i64, scratch_operands = 3 : i64, tpu.core_type = #tpu.core_type<sc_vector_subcore>, window_params = [{transform_indices = #map}, {transform_indices = #map1}, {transform_indices = #map1}, {transform_indices = #map1}]} {
    "tpu.region"() ({
      %run_scoped3A = tpu.sem_alloc : memref<!tpu.dma_semaphore, #tpu.memory_space<semaphore_mem>>
      %dma_start3A = arith.constant 0 : i32
      %dma_start3A_22 = arith.constant 0 : i32
      %dma_start3A_23 = tpu.memref_slice %arg2[%arg1, %dma_start3A, %dma_start3A_22] : memref<16x80x128xi32, #tpu.memory_space<hbm>> -> memref<1x80x128xi32, #tpu.memory_space<hbm>>
      %dma_start3A_24 = tpu.memref_squeeze %dma_start3A_23 : memref<1x80x128xi32, #tpu.memory_space<hbm>> -> memref<80x128xi32, #tpu.memory_space<hbm>>
      %dma_start3A_25 = arith.constant 0 : i32
      %dma_start3A_26 = arith.constant 0 : i32
      %dma_start3A_27 = tpu.memref_slice %arg2[%arg1, %dma_start3A_25, %dma_start3A_26] : memref<16x80x128xi32, #tpu.memory_space<hbm>> -> memref<1x80x128xi32, #tpu.memory_space<hbm>>
      %dma_start3A_28 = tpu.memref_squeeze %dma_start3A_27 : memref<1x80x128xi32, #tpu.memory_space<hbm>> -> memref<80x128xi32, #tpu.memory_space<hbm>>
      tpu.enqueue_dma source(%dma_start3A_28 : memref<80x128xi32, #tpu.memory_space<hbm>>) target(%arg6 : memref<80x128xi32, #tpu.memory_space<vmem>>) target_semaphore(%run_scoped3A : memref<!tpu.dma_semaphore, #tpu.memory_space<semaphore_mem>>)
      %dma_wait3A = arith.constant 0 : i32
      %dma_wait3A_29 = arith.constant 0 : i32
      %dma_wait3A_30 = tpu.memref_slice %arg2[%arg1, %dma_wait3A, %dma_wait3A_29] : memref<16x80x128xi32, #tpu.memory_space<hbm>> -> memref<1x80x128xi32, #tpu.memory_space<hbm>>
      %dma_wait3A_31 = tpu.memref_squeeze %dma_wait3A_30 : memref<1x80x128xi32, #tpu.memory_space<hbm>> -> memref<80x128xi32, #tpu.memory_space<hbm>>
      %dma_wait3A_32 = arith.constant 0 : i32
      %dma_wait3A_33 = arith.constant 0 : i32
      %dma_wait3A_34 = tpu.memref_slice %arg2[%arg1, %dma_wait3A_32, %dma_wait3A_33] : memref<16x80x128xi32, #tpu.memory_space<hbm>> -> memref<1x80x128xi32, #tpu.memory_space<hbm>>
      %dma_wait3A_35 = tpu.memref_squeeze %dma_wait3A_34 : memref<1x80x128xi32, #tpu.memory_space<hbm>> -> memref<80x128xi32, #tpu.memory_space<hbm>>
      tpu.wait_dma2 semaphore(%run_scoped3A : memref<!tpu.dma_semaphore, #tpu.memory_space<semaphore_mem>>) src(%dma_wait3A_35 : memref<80x128xi32, #tpu.memory_space<hbm>>) dst(%arg6 : memref<80x128xi32, #tpu.memory_space<vmem>>)
      tpu.yield
    }) : () -> ()
    "tpu.region"() ({
      %run_scoped3A = tpu.sem_alloc : memref<!tpu.dma_semaphore, #tpu.memory_space<semaphore_mem>>
      tpu.enqueue_dma source(%arg3 : memref<128x128xf32, #tpu.memory_space<hbm>>) target(%arg7 : memref<128x128xf32, #tpu.memory_space<vmem>>) target_semaphore(%run_scoped3A : memref<!tpu.dma_semaphore, #tpu.memory_space<semaphore_mem>>)
      tpu.wait_dma2 semaphore(%run_scoped3A : memref<!tpu.dma_semaphore, #tpu.memory_space<semaphore_mem>>) src(%arg3 : memref<128x128xf32, #tpu.memory_space<hbm>>) dst(%arg7 : memref<128x128xf32, #tpu.memory_space<vmem>>)
      tpu.yield
    }) : () -> ()
    %mul3A = arith.constant 640 : i32
    %mul3A_0 = arith.muli %arg1, %mul3A : i32
    "tpu.region"() ({
      %run_scoped3A = tpu.sem_alloc : memref<!tpu.dma_semaphore, #tpu.memory_space<semaphore_mem>>
      %dma_start3A = arith.constant 0 : i32
      %dma_start3A_22 = tpu.memref_slice %arg8[%mul3A_0, %dma_start3A] : memref<10240x128xf32, #tpu.memory_space<vmem_shared>> -> memref<640x128xf32, #tpu.memory_space<vmem_shared>>
      tpu.enqueue_dma source(%arg4 : memref<640x128xf32, #tpu.memory_space<hbm>>) target(%dma_start3A_22 : memref<640x128xf32, #tpu.memory_space<vmem_shared>>) target_semaphore(%run_scoped3A : memref<!tpu.dma_semaphore, #tpu.memory_space<semaphore_mem>>)
      %dma_wait3A = arith.constant 0 : i32
      %dma_wait3A_23 = tpu.memref_slice %arg8[%mul3A_0, %dma_wait3A] : memref<10240x128xf32, #tpu.memory_space<vmem_shared>> -> memref<640x128xf32, #tpu.memory_space<vmem_shared>>
      tpu.wait_dma2 semaphore(%run_scoped3A : memref<!tpu.dma_semaphore, #tpu.memory_space<semaphore_mem>>) src(%arg4 : memref<640x128xf32, #tpu.memory_space<hbm>>) dst(%dma_wait3A_23 : memref<640x128xf32, #tpu.memory_space<vmem_shared>>)
      tpu.yield
    }) : () -> ()
    %barrier3A = arith.constant 0 : index
    tpu.barrier barrier_id(%barrier3A)
    %mul3A_1 = arith.constant 40 : i32
    %mul3A_2 = arith.muli %arg0, %mul3A_1 : i32
    %add3A = arith.constant 1 : i32
    %add3A_3 = arith.addi %arg0, %add3A : i32
    %mul3A_4 = arith.constant 40 : i32
    %mul3A_5 = arith.muli %add3A_3, %mul3A_4 : i32
    %while3A = arith.constant 0 : i32
    %while3A_6 = arith.subi %mul3A_5, %mul3A_2 : i32
    %while3A_7 = arith.addi %mul3A_2, %while3A_6 : i32
    %while3A_8 = arith.constant 1 : i32
    %while3A_9 = arith.divsi %while3A_6, %while3A_8 : i32
    %while3A_10 = arith.muli %while3A_9, %while3A_8 : i32
    %while3A_11 = arith.addi %mul3A_2, %while3A_10 : i32
    %while3A_12 = arith.constant 1 : i32
    scf.for %while3A_22 = %mul3A_2 to %while3A_11 step %while3A_12  : i32 {
      "tpu.region"() ({
        %run_scoped3A = tpu.sem_alloc : memref<!tpu.dma_semaphore, #tpu.memory_space<semaphore_mem>>
        %dma_start3A = arith.constant 0 : i32
        %dma_start3A_23 = tpu.memref_slice %arg6[%while3A_22, %dma_start3A] : memref<80x128xi32, #tpu.memory_space<vmem>> -> memref<1x128xi32, #tpu.memory_space<vmem>>
        %dma_start3A_24 = tpu.memref_squeeze %dma_start3A_23 : memref<1x128xi32, #tpu.memory_space<vmem>> -> memref<128xi32, #tpu.memory_space<vmem>>
        %dma_start3A_25 = arith.constant 0 : i32
        %dma_start3A_26 = arith.constant 0 : i32
        %dma_start3A_27 = tpu.memref_slice %arg8[%dma_start3A_25, %dma_start3A_26] : memref<10240x128xf32, #tpu.memory_space<vmem_shared>> -> memref<10240x128xf32, #tpu.memory_space<vmem_shared>>
        tpu.enqueue_indirect_dma source(%arg7 : memref<128x128xf32, #tpu.memory_space<vmem>>) target(%dma_start3A_27 : memref<10240x128xf32, #tpu.memory_space<vmem_shared>>) offsets(%dma_start3A_24 : memref<128xi32, #tpu.memory_space<vmem>>) semaphore(%run_scoped3A : memref<!tpu.dma_semaphore, #tpu.memory_space<semaphore_mem>>) {add = true}
        %dma_wait3A = arith.constant 0 : i32
        %dma_wait3A_28 = tpu.memref_slice %arg6[%while3A_22, %dma_wait3A] : memref<80x128xi32, #tpu.memory_space<vmem>> -> memref<1x128xi32, #tpu.memory_space<vmem>>
        %dma_wait3A_29 = tpu.memref_squeeze %dma_wait3A_28 : memref<1x128xi32, #tpu.memory_space<vmem>> -> memref<128xi32, #tpu.memory_space<vmem>>
        %dma_wait3A_30 = arith.constant 0 : i32
        %dma_wait3A_31 = arith.constant 0 : i32
        %dma_wait3A_32 = tpu.memref_slice %arg8[%dma_wait3A_30, %dma_wait3A_31] : memref<10240x128xf32, #tpu.memory_space<vmem_shared>> -> memref<10240x128xf32, #tpu.memory_space<vmem_shared>>
        tpu.wait_indirect_dma semaphore(%run_scoped3A : memref<!tpu.dma_semaphore, #tpu.memory_space<semaphore_mem>>) src(%arg7 : memref<128x128xf32, #tpu.memory_space<vmem>>) dst(%dma_wait3A_32 : memref<10240x128xf32, #tpu.memory_space<vmem_shared>>)
        tpu.yield
      }) : () -> ()
    }
    %while3A_13 = arith.constant 1 : i32
    scf.for %while3A_22 = %while3A_11 to %while3A_7 step %while3A_13  : i32 {
      "tpu.region"() ({
        %run_scoped3A = tpu.sem_alloc : memref<!tpu.dma_semaphore, #tpu.memory_space<semaphore_mem>>
        %dma_start3A = arith.constant 0 : i32
        %dma_start3A_23 = tpu.memref_slice %arg6[%while3A_22, %dma_start3A] : memref<80x128xi32, #tpu.memory_space<vmem>> -> memref<1x128xi32, #tpu.memory_space<vmem>>
        %dma_start3A_24 = tpu.memref_squeeze %dma_start3A_23 : memref<1x128xi32, #tpu.memory_space<vmem>> -> memref<128xi32, #tpu.memory_space<vmem>>
        %dma_start3A_25 = arith.constant 0 : i32
        %dma_start3A_26 = arith.constant 0 : i32
        %dma_start3A_27 = tpu.memref_slice %arg8[%dma_start3A_25, %dma_start3A_26] : memref<10240x128xf32, #tpu.memory_space<vmem_shared>> -> memref<10240x128xf32, #tpu.memory_space<vmem_shared>>
        tpu.enqueue_indirect_dma source(%arg7 : memref<128x128xf32, #tpu.memory_space<vmem>>) target(%dma_start3A_27 : memref<10240x128xf32, #tpu.memory_space<vmem_shared>>) offsets(%dma_start3A_24 : memref<128xi32, #tpu.memory_space<vmem>>) semaphore(%run_scoped3A : memref<!tpu.dma_semaphore, #tpu.memory_space<semaphore_mem>>) {add = true}
        %dma_wait3A = arith.constant 0 : i32
        %dma_wait3A_28 = tpu.memref_slice %arg6[%while3A_22, %dma_wait3A] : memref<80x128xi32, #tpu.memory_space<vmem>> -> memref<1x128xi32, #tpu.memory_space<vmem>>
        %dma_wait3A_29 = tpu.memref_squeeze %dma_wait3A_28 : memref<1x128xi32, #tpu.memory_space<vmem>> -> memref<128xi32, #tpu.memory_space<vmem>>
        %dma_wait3A_30 = arith.constant 0 : i32
        %dma_wait3A_31 = arith.constant 0 : i32
        %dma_wait3A_32 = tpu.memref_slice %arg8[%dma_wait3A_30, %dma_wait3A_31] : memref<10240x128xf32, #tpu.memory_space<vmem_shared>> -> memref<10240x128xf32, #tpu.memory_space<vmem_shared>>
        tpu.wait_indirect_dma semaphore(%run_scoped3A : memref<!tpu.dma_semaphore, #tpu.memory_space<semaphore_mem>>) src(%arg7 : memref<128x128xf32, #tpu.memory_space<vmem>>) dst(%dma_wait3A_32 : memref<10240x128xf32, #tpu.memory_space<vmem_shared>>)
        tpu.yield
      }) : () -> ()
    }
    %barrier3A_14 = arith.constant 0 : index
    tpu.barrier barrier_id(%barrier3A_14)
    %mul3A_15 = arith.constant 640 : i32
    %mul3A_16 = arith.muli %arg1, %mul3A_15 : i32
    %mul3A_17 = arith.constant 10240 : i32
    %mul3A_18 = arith.muli %arg0, %mul3A_17 : i32
    %mul3A_19 = arith.constant 640 : i32
    %mul3A_20 = arith.muli %arg1, %mul3A_19 : i32
    %add3A_21 = arith.addi %mul3A_18, %mul3A_20 : i32
    "tpu.region"() ({
      %run_scoped3A = tpu.sem_alloc : memref<!tpu.dma_semaphore, #tpu.memory_space<semaphore_mem>>
      %dma_start3A = arith.constant 0 : i32
      %dma_start3A_22 = tpu.memref_slice %arg5[%add3A_21, %dma_start3A] : memref<20480x128xf32, #tpu.memory_space<hbm>> -> memref<640x128xf32, #tpu.memory_space<hbm>>
      %dma_start3A_23 = arith.constant 0 : i32
      %dma_start3A_24 = tpu.memref_slice %arg8[%mul3A_16, %dma_start3A_23] : memref<10240x128xf32, #tpu.memory_space<vmem_shared>> -> memref<640x128xf32, #tpu.memory_space<vmem_shared>>
      tpu.enqueue_dma source(%dma_start3A_24 : memref<640x128xf32, #tpu.memory_space<vmem_shared>>) target(%dma_start3A_22 : memref<640x128xf32, #tpu.memory_space<hbm>>) target_semaphore(%run_scoped3A : memref<!tpu.dma_semaphore, #tpu.memory_space<semaphore_mem>>)
      %dma_wait3A = arith.constant 0 : i32
      %dma_wait3A_25 = tpu.memref_slice %arg5[%add3A_21, %dma_wait3A] : memref<20480x128xf32, #tpu.memory_space<hbm>> -> memref<640x128xf32, #tpu.memory_space<hbm>>
      %dma_wait3A_26 = arith.constant 0 : i32
      %dma_wait3A_27 = tpu.memref_slice %arg8[%mul3A_16, %dma_wait3A_26] : memref<10240x128xf32, #tpu.memory_space<vmem_shared>> -> memref<640x128xf32, #tpu.memory_space<vmem_shared>>
      tpu.wait_dma2 semaphore(%run_scoped3A : memref<!tpu.dma_semaphore, #tpu.memory_space<semaphore_mem>>) src(%dma_wait3A_27 : memref<640x128xf32, #tpu.memory_space<vmem_shared>>) dst(%dma_wait3A_25 : memref<640x128xf32, #tpu.memory_space<hbm>>)
      tpu.yield
    }) : () -> ()
    return
  }
}

#map = affine_map<(d0, d1) -> (0, 0)>
#map1 = affine_map<(d0, d1) -> (0, 0, 0, 0, 0)>
module attributes {stable_mosaic.version = 14 : i64} {
  func.func @_agg_body(%arg0: i32, %arg1: i32, %arg2: memref<81920x128xf32, #tpu.memory_space<hbm>>, %arg3: memref<8x16x2x80x128xi32, #tpu.memory_space<hbm>>, %arg4: memref<640x128xf32, #tpu.memory_space<hbm>>, %arg5: memref<81920x128xf32, #tpu.memory_space<hbm>>, %arg6: memref<2x40x128xi32, #tpu.memory_space<vmem>>, %arg7: memref<128x128xf32, #tpu.memory_space<vmem>>, %arg8: memref<128x128xf32, #tpu.memory_space<vmem>>, %arg9: memref<!tpu.dma_semaphore, #tpu.memory_space<semaphore_mem>>, %arg10: memref<!tpu.dma_semaphore, #tpu.memory_space<semaphore_mem>>, %arg11: memref<10240x128xf32, #tpu.memory_space<vmem_shared>>) attributes {dimension_semantics = [#tpu.dimension_semantics<core_parallel>, #tpu.dimension_semantics<subcore_parallel>], iteration_bounds = array<i64: 2, 16>, scalar_prefetch = 0 : i64, scratch_operands = 6 : i64, tpu.core_type = #tpu.core_type<sc_vector_subcore>, window_params = [{transform_indices = #map}, {transform_indices = #map1}, {transform_indices = #map}, {transform_indices = #map}]} {
    %scan3A = arith.constant 0 : i32
    %scan3A_0 = arith.constant 0 : i32
    %scan3A_1 = arith.constant 4 : i32
    %scan3A_2 = arith.addi %scan3A_0, %scan3A_1 : i32
    %scan3A_3 = arith.constant 1 : i32
    scf.for %scan3A_5 = %scan3A_0 to %scan3A_2 step %scan3A_3  : i32 {
      %mul3A = arith.constant 4 : i32
      %mul3A_6 = arith.muli %arg0, %mul3A : i32
      %add3A = arith.addi %mul3A_6, %scan3A_5 : i32
      %mul3A_7 = arith.constant 640 : i32
      %mul3A_8 = arith.muli %arg1, %mul3A_7 : i32
      "tpu.region"() ({
        %run_scoped3A = tpu.sem_alloc : memref<!tpu.dma_semaphore, #tpu.memory_space<semaphore_mem>>
        %dma_start3A = arith.constant 0 : i32
        %dma_start3A_24 = tpu.memref_slice %arg11[%mul3A_8, %dma_start3A] : memref<10240x128xf32, #tpu.memory_space<vmem_shared>> -> memref<640x128xf32, #tpu.memory_space<vmem_shared>>
        tpu.enqueue_dma source(%arg4 : memref<640x128xf32, #tpu.memory_space<hbm>>) target(%dma_start3A_24 : memref<640x128xf32, #tpu.memory_space<vmem_shared>>) target_semaphore(%run_scoped3A : memref<!tpu.dma_semaphore, #tpu.memory_space<semaphore_mem>>)
        %dma_wait3A = arith.constant 0 : i32
        %dma_wait3A_25 = tpu.memref_slice %arg11[%mul3A_8, %dma_wait3A] : memref<10240x128xf32, #tpu.memory_space<vmem_shared>> -> memref<640x128xf32, #tpu.memory_space<vmem_shared>>
        tpu.wait_dma2 semaphore(%run_scoped3A : memref<!tpu.dma_semaphore, #tpu.memory_space<semaphore_mem>>) src(%arg4 : memref<640x128xf32, #tpu.memory_space<hbm>>) dst(%dma_wait3A_25 : memref<640x128xf32, #tpu.memory_space<vmem_shared>>)
        tpu.yield
      }) : () -> ()
      %barrier3A = arith.constant 0 : index
      tpu.barrier barrier_id(%barrier3A)
      %scan3A_9 = arith.constant 0 : i32
      %scan3A_10 = arith.constant 0 : i32
      %scan3A_11 = arith.constant 2 : i32
      %scan3A_12 = arith.addi %scan3A_10, %scan3A_11 : i32
      %scan3A_13 = arith.constant 1 : i32
      scf.for %scan3A_24 = %scan3A_10 to %scan3A_12 step %scan3A_13  : i32 {
        %mul3A_25 = arith.constant 40 : i32
        %mul3A_26 = arith.muli %scan3A_24, %mul3A_25 : i32
        "tpu.region"() ({
          %run_scoped3A = tpu.sem_alloc : memref<!tpu.dma_semaphore, #tpu.memory_space<semaphore_mem>>
          %dma_start3A = arith.constant 0 : i32
          %dma_start3A_35 = arith.constant 0 : i32
          %dma_start3A_36 = arith.constant 0 : i32
          %dma_start3A_37 = tpu.memref_slice %arg3[%add3A, %arg1, %dma_start3A, %dma_start3A_35, %dma_start3A_36] : memref<8x16x2x80x128xi32, #tpu.memory_space<hbm>> -> memref<1x1x2x80x128xi32, #tpu.memory_space<hbm>>
          %dma_start3A_38 = tpu.memref_squeeze %dma_start3A_37 : memref<1x1x2x80x128xi32, #tpu.memory_space<hbm>> -> memref<2x80x128xi32, #tpu.memory_space<hbm>>
          %dma_start3A_39 = arith.constant 0 : i32
          %dma_start3A_40 = arith.constant 0 : i32
          %dma_start3A_41 = tpu.memref_slice %dma_start3A_38[%dma_start3A_39, %mul3A_26, %dma_start3A_40] : memref<2x80x128xi32, #tpu.memory_space<hbm>> -> memref<2x40x128xi32, #tpu.memory_space<hbm>>
          %dma_start3A_42 = arith.constant 0 : i32
          %dma_start3A_43 = arith.constant 0 : i32
          %dma_start3A_44 = arith.constant 0 : i32
          %dma_start3A_45 = tpu.memref_slice %arg3[%add3A, %arg1, %dma_start3A_42, %dma_start3A_43, %dma_start3A_44] : memref<8x16x2x80x128xi32, #tpu.memory_space<hbm>> -> memref<1x1x2x80x128xi32, #tpu.memory_space<hbm>>
          %dma_start3A_46 = tpu.memref_squeeze %dma_start3A_45 : memref<1x1x2x80x128xi32, #tpu.memory_space<hbm>> -> memref<2x80x128xi32, #tpu.memory_space<hbm>>
          %dma_start3A_47 = arith.constant 0 : i32
          %dma_start3A_48 = arith.constant 0 : i32
          %dma_start3A_49 = tpu.memref_slice %dma_start3A_46[%dma_start3A_47, %mul3A_26, %dma_start3A_48] : memref<2x80x128xi32, #tpu.memory_space<hbm>> -> memref<2x40x128xi32, #tpu.memory_space<hbm>>
          tpu.enqueue_dma source(%dma_start3A_49 : memref<2x40x128xi32, #tpu.memory_space<hbm>>) target(%arg6 : memref<2x40x128xi32, #tpu.memory_space<vmem>>) target_semaphore(%run_scoped3A : memref<!tpu.dma_semaphore, #tpu.memory_space<semaphore_mem>>)
          %dma_wait3A = arith.constant 0 : i32
          %dma_wait3A_50 = arith.constant 0 : i32
          %dma_wait3A_51 = arith.constant 0 : i32
          %dma_wait3A_52 = tpu.memref_slice %arg3[%add3A, %arg1, %dma_wait3A, %dma_wait3A_50, %dma_wait3A_51] : memref<8x16x2x80x128xi32, #tpu.memory_space<hbm>> -> memref<1x1x2x80x128xi32, #tpu.memory_space<hbm>>
          %dma_wait3A_53 = tpu.memref_squeeze %dma_wait3A_52 : memref<1x1x2x80x128xi32, #tpu.memory_space<hbm>> -> memref<2x80x128xi32, #tpu.memory_space<hbm>>
          %dma_wait3A_54 = arith.constant 0 : i32
          %dma_wait3A_55 = arith.constant 0 : i32
          %dma_wait3A_56 = tpu.memref_slice %dma_wait3A_53[%dma_wait3A_54, %mul3A_26, %dma_wait3A_55] : memref<2x80x128xi32, #tpu.memory_space<hbm>> -> memref<2x40x128xi32, #tpu.memory_space<hbm>>
          %dma_wait3A_57 = arith.constant 0 : i32
          %dma_wait3A_58 = arith.constant 0 : i32
          %dma_wait3A_59 = arith.constant 0 : i32
          %dma_wait3A_60 = tpu.memref_slice %arg3[%add3A, %arg1, %dma_wait3A_57, %dma_wait3A_58, %dma_wait3A_59] : memref<8x16x2x80x128xi32, #tpu.memory_space<hbm>> -> memref<1x1x2x80x128xi32, #tpu.memory_space<hbm>>
          %dma_wait3A_61 = tpu.memref_squeeze %dma_wait3A_60 : memref<1x1x2x80x128xi32, #tpu.memory_space<hbm>> -> memref<2x80x128xi32, #tpu.memory_space<hbm>>
          %dma_wait3A_62 = arith.constant 0 : i32
          %dma_wait3A_63 = arith.constant 0 : i32
          %dma_wait3A_64 = tpu.memref_slice %dma_wait3A_61[%dma_wait3A_62, %mul3A_26, %dma_wait3A_63] : memref<2x80x128xi32, #tpu.memory_space<hbm>> -> memref<2x40x128xi32, #tpu.memory_space<hbm>>
          tpu.wait_dma2 semaphore(%run_scoped3A : memref<!tpu.dma_semaphore, #tpu.memory_space<semaphore_mem>>) src(%dma_wait3A_64 : memref<2x40x128xi32, #tpu.memory_space<hbm>>) dst(%arg6 : memref<2x40x128xi32, #tpu.memory_space<vmem>>)
          tpu.yield
        }) : () -> ()
        %scan3A_27 = arith.constant 0 : i32
        %scan3A_28 = arith.constant 0 : i32
        %scan3A_29 = arith.constant 1 : i32
        %scan3A_30 = arith.constant 0 : i32
        %scan3A_31 = arith.constant 20 : i32
        %scan3A_32 = arith.addi %scan3A_30, %scan3A_31 : i32
        %scan3A_33 = arith.constant 1 : i32
        scf.for %scan3A_35 = %scan3A_30 to %scan3A_32 step %scan3A_33  : i32 {
          %mul3A_36 = arith.constant 2 : i32
          %mul3A_37 = arith.muli %mul3A_36, %scan3A_35 : i32
          %dma_start3A = arith.constant 0 : i32
          %dma_start3A_38 = arith.constant 0 : i32
          %dma_start3A_39 = tpu.memref_slice %arg6[%scan3A_28, %dma_start3A, %dma_start3A_38] : memref<2x40x128xi32, #tpu.memory_space<vmem>> -> memref<1x40x128xi32, #tpu.memory_space<vmem>>
          %dma_start3A_40 = tpu.memref_squeeze %dma_start3A_39 : memref<1x40x128xi32, #tpu.memory_space<vmem>> -> memref<40x128xi32, #tpu.memory_space<vmem>>
          %dma_start3A_41 = arith.constant 0 : i32
          %dma_start3A_42 = tpu.memref_slice %dma_start3A_40[%mul3A_37, %dma_start3A_41] : memref<40x128xi32, #tpu.memory_space<vmem>> -> memref<1x128xi32, #tpu.memory_space<vmem>>
          %dma_start3A_43 = tpu.memref_squeeze %dma_start3A_42 : memref<1x128xi32, #tpu.memory_space<vmem>> -> memref<128xi32, #tpu.memory_space<vmem>>
          %dma_start3A_44 = arith.constant 0 : i32
          %dma_start3A_45 = arith.constant 0 : i32
          %dma_start3A_46 = tpu.memref_slice %arg2[%dma_start3A_44, %dma_start3A_45] : memref<81920x128xf32, #tpu.memory_space<hbm>> -> memref<81920x128xf32, #tpu.memory_space<hbm>>
          tpu.enqueue_indirect_dma source(%dma_start3A_46 : memref<81920x128xf32, #tpu.memory_space<hbm>>) target(%arg7 : memref<128x128xf32, #tpu.memory_space<vmem>>) offsets(%dma_start3A_43 : memref<128xi32, #tpu.memory_space<vmem>>) semaphore(%arg9 : memref<!tpu.dma_semaphore, #tpu.memory_space<semaphore_mem>>)
          %add3A_47 = arith.constant 1 : i32
          %add3A_48 = arith.addi %mul3A_37, %add3A_47 : i32
          %dma_start3A_49 = arith.constant 0 : i32
          %dma_start3A_50 = arith.constant 0 : i32
          %dma_start3A_51 = tpu.memref_slice %arg6[%scan3A_28, %dma_start3A_49, %dma_start3A_50] : memref<2x40x128xi32, #tpu.memory_space<vmem>> -> memref<1x40x128xi32, #tpu.memory_space<vmem>>
          %dma_start3A_52 = tpu.memref_squeeze %dma_start3A_51 : memref<1x40x128xi32, #tpu.memory_space<vmem>> -> memref<40x128xi32, #tpu.memory_space<vmem>>
          %dma_start3A_53 = arith.constant 0 : i32
          %dma_start3A_54 = tpu.memref_slice %dma_start3A_52[%add3A_48, %dma_start3A_53] : memref<40x128xi32, #tpu.memory_space<vmem>> -> memref<1x128xi32, #tpu.memory_space<vmem>>
          %dma_start3A_55 = tpu.memref_squeeze %dma_start3A_54 : memref<1x128xi32, #tpu.memory_space<vmem>> -> memref<128xi32, #tpu.memory_space<vmem>>
          %dma_start3A_56 = arith.constant 0 : i32
          %dma_start3A_57 = arith.constant 0 : i32
          %dma_start3A_58 = tpu.memref_slice %arg2[%dma_start3A_56, %dma_start3A_57] : memref<81920x128xf32, #tpu.memory_space<hbm>> -> memref<81920x128xf32, #tpu.memory_space<hbm>>
          tpu.enqueue_indirect_dma source(%dma_start3A_58 : memref<81920x128xf32, #tpu.memory_space<hbm>>) target(%arg8 : memref<128x128xf32, #tpu.memory_space<vmem>>) offsets(%dma_start3A_55 : memref<128xi32, #tpu.memory_space<vmem>>) semaphore(%arg10 : memref<!tpu.dma_semaphore, #tpu.memory_space<semaphore_mem>>)
          %dma_wait3A = arith.constant 0 : i32
          %dma_wait3A_59 = arith.constant 0 : i32
          %dma_wait3A_60 = tpu.memref_slice %arg6[%scan3A_28, %dma_wait3A, %dma_wait3A_59] : memref<2x40x128xi32, #tpu.memory_space<vmem>> -> memref<1x40x128xi32, #tpu.memory_space<vmem>>
          %dma_wait3A_61 = tpu.memref_squeeze %dma_wait3A_60 : memref<1x40x128xi32, #tpu.memory_space<vmem>> -> memref<40x128xi32, #tpu.memory_space<vmem>>
          %dma_wait3A_62 = arith.constant 0 : i32
          %dma_wait3A_63 = tpu.memref_slice %dma_wait3A_61[%mul3A_37, %dma_wait3A_62] : memref<40x128xi32, #tpu.memory_space<vmem>> -> memref<1x128xi32, #tpu.memory_space<vmem>>
          %dma_wait3A_64 = tpu.memref_squeeze %dma_wait3A_63 : memref<1x128xi32, #tpu.memory_space<vmem>> -> memref<128xi32, #tpu.memory_space<vmem>>
          %dma_wait3A_65 = arith.constant 0 : i32
          %dma_wait3A_66 = arith.constant 0 : i32
          %dma_wait3A_67 = tpu.memref_slice %arg2[%dma_wait3A_65, %dma_wait3A_66] : memref<81920x128xf32, #tpu.memory_space<hbm>> -> memref<81920x128xf32, #tpu.memory_space<hbm>>
          tpu.wait_indirect_dma semaphore(%arg9 : memref<!tpu.dma_semaphore, #tpu.memory_space<semaphore_mem>>) src(%dma_wait3A_67 : memref<81920x128xf32, #tpu.memory_space<hbm>>) dst(%arg7 : memref<128x128xf32, #tpu.memory_space<vmem>>)
          "tpu.region"() ({
            %run_scoped3A = tpu.sem_alloc : memref<!tpu.dma_semaphore, #tpu.memory_space<semaphore_mem>>
            %dma_start3A_80 = arith.constant 0 : i32
            %dma_start3A_81 = arith.constant 0 : i32
            %dma_start3A_82 = tpu.memref_slice %arg6[%scan3A_29, %dma_start3A_80, %dma_start3A_81] : memref<2x40x128xi32, #tpu.memory_space<vmem>> -> memref<1x40x128xi32, #tpu.memory_space<vmem>>
            %dma_start3A_83 = tpu.memref_squeeze %dma_start3A_82 : memref<1x40x128xi32, #tpu.memory_space<vmem>> -> memref<40x128xi32, #tpu.memory_space<vmem>>
            %dma_start3A_84 = arith.constant 0 : i32
            %dma_start3A_85 = tpu.memref_slice %dma_start3A_83[%mul3A_37, %dma_start3A_84] : memref<40x128xi32, #tpu.memory_space<vmem>> -> memref<1x128xi32, #tpu.memory_space<vmem>>
            %dma_start3A_86 = tpu.memref_squeeze %dma_start3A_85 : memref<1x128xi32, #tpu.memory_space<vmem>> -> memref<128xi32, #tpu.memory_space<vmem>>
            %dma_start3A_87 = arith.constant 0 : i32
            %dma_start3A_88 = arith.constant 0 : i32
            %dma_start3A_89 = tpu.memref_slice %arg11[%dma_start3A_87, %dma_start3A_88] : memref<10240x128xf32, #tpu.memory_space<vmem_shared>> -> memref<10240x128xf32, #tpu.memory_space<vmem_shared>>
            tpu.enqueue_indirect_dma source(%arg7 : memref<128x128xf32, #tpu.memory_space<vmem>>) target(%dma_start3A_89 : memref<10240x128xf32, #tpu.memory_space<vmem_shared>>) offsets(%dma_start3A_86 : memref<128xi32, #tpu.memory_space<vmem>>) semaphore(%run_scoped3A : memref<!tpu.dma_semaphore, #tpu.memory_space<semaphore_mem>>) {add = true}
            %dma_wait3A_90 = arith.constant 0 : i32
            %dma_wait3A_91 = arith.constant 0 : i32
            %dma_wait3A_92 = tpu.memref_slice %arg6[%scan3A_29, %dma_wait3A_90, %dma_wait3A_91] : memref<2x40x128xi32, #tpu.memory_space<vmem>> -> memref<1x40x128xi32, #tpu.memory_space<vmem>>
            %dma_wait3A_93 = tpu.memref_squeeze %dma_wait3A_92 : memref<1x40x128xi32, #tpu.memory_space<vmem>> -> memref<40x128xi32, #tpu.memory_space<vmem>>
            %dma_wait3A_94 = arith.constant 0 : i32
            %dma_wait3A_95 = tpu.memref_slice %dma_wait3A_93[%mul3A_37, %dma_wait3A_94] : memref<40x128xi32, #tpu.memory_space<vmem>> -> memref<1x128xi32, #tpu.memory_space<vmem>>
            %dma_wait3A_96 = tpu.memref_squeeze %dma_wait3A_95 : memref<1x128xi32, #tpu.memory_space<vmem>> -> memref<128xi32, #tpu.memory_space<vmem>>
            %dma_wait3A_97 = arith.constant 0 : i32
            %dma_wait3A_98 = arith.constant 0 : i32
            %dma_wait3A_99 = tpu.memref_slice %arg11[%dma_wait3A_97, %dma_wait3A_98] : memref<10240x128xf32, #tpu.memory_space<vmem_shared>> -> memref<10240x128xf32, #tpu.memory_space<vmem_shared>>
            tpu.wait_indirect_dma semaphore(%run_scoped3A : memref<!tpu.dma_semaphore, #tpu.memory_space<semaphore_mem>>) src(%arg7 : memref<128x128xf32, #tpu.memory_space<vmem>>) dst(%dma_wait3A_99 : memref<10240x128xf32, #tpu.memory_space<vmem_shared>>)
            tpu.yield
          }) : () -> ()
          %dma_wait3A_68 = arith.constant 0 : i32
          %dma_wait3A_69 = arith.constant 0 : i32
          %dma_wait3A_70 = tpu.memref_slice %arg6[%scan3A_28, %dma_wait3A_68, %dma_wait3A_69] : memref<2x40x128xi32, #tpu.memory_space<vmem>> -> memref<1x40x128xi32, #tpu.memory_space<vmem>>
          %dma_wait3A_71 = tpu.memref_squeeze %dma_wait3A_70 : memref<1x40x128xi32, #tpu.memory_space<vmem>> -> memref<40x128xi32, #tpu.memory_space<vmem>>
          %dma_wait3A_72 = arith.constant 0 : i32
          %dma_wait3A_73 = tpu.memref_slice %dma_wait3A_71[%add3A_48, %dma_wait3A_72] : memref<40x128xi32, #tpu.memory_space<vmem>> -> memref<1x128xi32, #tpu.memory_space<vmem>>
          %dma_wait3A_74 = tpu.memref_squeeze %dma_wait3A_73 : memref<1x128xi32, #tpu.memory_space<vmem>> -> memref<128xi32, #tpu.memory_space<vmem>>
          %dma_wait3A_75 = arith.constant 0 : i32
          %dma_wait3A_76 = arith.constant 0 : i32
          %dma_wait3A_77 = tpu.memref_slice %arg2[%dma_wait3A_75, %dma_wait3A_76] : memref<81920x128xf32, #tpu.memory_space<hbm>> -> memref<81920x128xf32, #tpu.memory_space<hbm>>
          tpu.wait_indirect_dma semaphore(%arg10 : memref<!tpu.dma_semaphore, #tpu.memory_space<semaphore_mem>>) src(%dma_wait3A_77 : memref<81920x128xf32, #tpu.memory_space<hbm>>) dst(%arg8 : memref<128x128xf32, #tpu.memory_space<vmem>>)
          %add3A_78 = arith.constant 1 : i32
          %add3A_79 = arith.addi %mul3A_37, %add3A_78 : i32
          "tpu.region"() ({
            %run_scoped3A = tpu.sem_alloc : memref<!tpu.dma_semaphore, #tpu.memory_space<semaphore_mem>>
            %dma_start3A_80 = arith.constant 0 : i32
            %dma_start3A_81 = arith.constant 0 : i32
            %dma_start3A_82 = tpu.memref_slice %arg6[%scan3A_29, %dma_start3A_80, %dma_start3A_81] : memref<2x40x128xi32, #tpu.memory_space<vmem>> -> memref<1x40x128xi32, #tpu.memory_space<vmem>>
            %dma_start3A_83 = tpu.memref_squeeze %dma_start3A_82 : memref<1x40x128xi32, #tpu.memory_space<vmem>> -> memref<40x128xi32, #tpu.memory_space<vmem>>
            %dma_start3A_84 = arith.constant 0 : i32
            %dma_start3A_85 = tpu.memref_slice %dma_start3A_83[%add3A_79, %dma_start3A_84] : memref<40x128xi32, #tpu.memory_space<vmem>> -> memref<1x128xi32, #tpu.memory_space<vmem>>
            %dma_start3A_86 = tpu.memref_squeeze %dma_start3A_85 : memref<1x128xi32, #tpu.memory_space<vmem>> -> memref<128xi32, #tpu.memory_space<vmem>>
            %dma_start3A_87 = arith.constant 0 : i32
            %dma_start3A_88 = arith.constant 0 : i32
            %dma_start3A_89 = tpu.memref_slice %arg11[%dma_start3A_87, %dma_start3A_88] : memref<10240x128xf32, #tpu.memory_space<vmem_shared>> -> memref<10240x128xf32, #tpu.memory_space<vmem_shared>>
            tpu.enqueue_indirect_dma source(%arg8 : memref<128x128xf32, #tpu.memory_space<vmem>>) target(%dma_start3A_89 : memref<10240x128xf32, #tpu.memory_space<vmem_shared>>) offsets(%dma_start3A_86 : memref<128xi32, #tpu.memory_space<vmem>>) semaphore(%run_scoped3A : memref<!tpu.dma_semaphore, #tpu.memory_space<semaphore_mem>>) {add = true}
            %dma_wait3A_90 = arith.constant 0 : i32
            %dma_wait3A_91 = arith.constant 0 : i32
            %dma_wait3A_92 = tpu.memref_slice %arg6[%scan3A_29, %dma_wait3A_90, %dma_wait3A_91] : memref<2x40x128xi32, #tpu.memory_space<vmem>> -> memref<1x40x128xi32, #tpu.memory_space<vmem>>
            %dma_wait3A_93 = tpu.memref_squeeze %dma_wait3A_92 : memref<1x40x128xi32, #tpu.memory_space<vmem>> -> memref<40x128xi32, #tpu.memory_space<vmem>>
            %dma_wait3A_94 = arith.constant 0 : i32
            %dma_wait3A_95 = tpu.memref_slice %dma_wait3A_93[%add3A_79, %dma_wait3A_94] : memref<40x128xi32, #tpu.memory_space<vmem>> -> memref<1x128xi32, #tpu.memory_space<vmem>>
            %dma_wait3A_96 = tpu.memref_squeeze %dma_wait3A_95 : memref<1x128xi32, #tpu.memory_space<vmem>> -> memref<128xi32, #tpu.memory_space<vmem>>
            %dma_wait3A_97 = arith.constant 0 : i32
            %dma_wait3A_98 = arith.constant 0 : i32
            %dma_wait3A_99 = tpu.memref_slice %arg11[%dma_wait3A_97, %dma_wait3A_98] : memref<10240x128xf32, #tpu.memory_space<vmem_shared>> -> memref<10240x128xf32, #tpu.memory_space<vmem_shared>>
            tpu.wait_indirect_dma semaphore(%run_scoped3A : memref<!tpu.dma_semaphore, #tpu.memory_space<semaphore_mem>>) src(%arg8 : memref<128x128xf32, #tpu.memory_space<vmem>>) dst(%dma_wait3A_99 : memref<10240x128xf32, #tpu.memory_space<vmem_shared>>)
            tpu.yield
          }) : () -> ()
        }
        %scan3A_34 = arith.constant 20 : i32
      }
      %scan3A_14 = arith.constant 2 : i32
      %barrier3A_15 = arith.constant 0 : index
      tpu.barrier barrier_id(%barrier3A_15)
      %mul3A_16 = arith.constant 640 : i32
      %mul3A_17 = arith.muli %arg1, %mul3A_16 : i32
      %mul3A_18 = arith.constant 10240 : i32
      %mul3A_19 = arith.muli %add3A, %mul3A_18 : i32
      %mul3A_20 = arith.constant 640 : i32
      %mul3A_21 = arith.muli %arg1, %mul3A_20 : i32
      %add3A_22 = arith.addi %mul3A_19, %mul3A_21 : i32
      "tpu.region"() ({
        %run_scoped3A = tpu.sem_alloc : memref<!tpu.dma_semaphore, #tpu.memory_space<semaphore_mem>>
        %dma_start3A = arith.constant 0 : i32
        %dma_start3A_24 = tpu.memref_slice %arg5[%add3A_22, %dma_start3A] : memref<81920x128xf32, #tpu.memory_space<hbm>> -> memref<640x128xf32, #tpu.memory_space<hbm>>
        %dma_start3A_25 = arith.constant 0 : i32
        %dma_start3A_26 = tpu.memref_slice %arg11[%mul3A_17, %dma_start3A_25] : memref<10240x128xf32, #tpu.memory_space<vmem_shared>> -> memref<640x128xf32, #tpu.memory_space<vmem_shared>>
        tpu.enqueue_dma source(%dma_start3A_26 : memref<640x128xf32, #tpu.memory_space<vmem_shared>>) target(%dma_start3A_24 : memref<640x128xf32, #tpu.memory_space<hbm>>) target_semaphore(%run_scoped3A : memref<!tpu.dma_semaphore, #tpu.memory_space<semaphore_mem>>)
        %dma_wait3A = arith.constant 0 : i32
        %dma_wait3A_27 = tpu.memref_slice %arg5[%add3A_22, %dma_wait3A] : memref<81920x128xf32, #tpu.memory_space<hbm>> -> memref<640x128xf32, #tpu.memory_space<hbm>>
        %dma_wait3A_28 = arith.constant 0 : i32
        %dma_wait3A_29 = tpu.memref_slice %arg11[%mul3A_17, %dma_wait3A_28] : memref<10240x128xf32, #tpu.memory_space<vmem_shared>> -> memref<640x128xf32, #tpu.memory_space<vmem_shared>>
        tpu.wait_dma2 semaphore(%run_scoped3A : memref<!tpu.dma_semaphore, #tpu.memory_space<semaphore_mem>>) src(%dma_wait3A_29 : memref<640x128xf32, #tpu.memory_space<vmem_shared>>) dst(%dma_wait3A_27 : memref<640x128xf32, #tpu.memory_space<hbm>>)
        tpu.yield
      }) : () -> ()
      %barrier3A_23 = arith.constant 0 : index
      tpu.barrier barrier_id(%barrier3A_23)
    }
    %scan3A_4 = arith.constant 4 : i32
    return
  }
}

module attributes {stable_mosaic.version = 14 : i64} {
  func.func @_mm_body(%arg0: i32, %arg1: i32, %arg2: memref<512x2048xf32, #tpu.memory_space<vmem>>, %arg3: memref<2048x128xf32, #tpu.memory_space<vmem>>, %arg4: memref<2x512x128xf32, #tpu.memory_space<vmem>>, %arg5: memref<1x512x128xf32, #tpu.memory_space<vmem>>) attributes {dimension_semantics = [#tpu.dimension_semantics<arbitrary>, #tpu.dimension_semantics<arbitrary>], iteration_bounds = array<i64: 20, 8>, scalar_prefetch = 0 : i64, scratch_operands = 0 : i64, tpu.core_type = #tpu.core_type<tc>, window_params = [{transform_indices = @transform_0, window_bounds = array<i64: 512, 2048>}, {transform_indices = @transform_1, window_bounds = array<i64: 2048, 128>}, {transform_indices = @transform_2, window_bounds = array<i64: 2, 512, 128>}, {transform_indices = @transform_3, window_bounds = array<i64: 1, 512, 128>}]} {
    %get3A = arith.constant 0 : index
    %get3A_0 = arith.constant 0 : index
    %get3A_1 = arith.constant 0 : index
    %get3A_2 = vector.load %arg4[%get3A, %get3A_0, %get3A_1] : memref<2x512x128xf32, #tpu.memory_space<vmem>>, vector<1x512x1xf32>
    %get3A_3 = vector.shape_cast %get3A_2 : vector<1x512x1xf32> to vector<512x1xf32>
    %get3A_4 = arith.constant 1 : index
    %get3A_5 = arith.constant 0 : index
    %get3A_6 = arith.constant 0 : index
    %get3A_7 = vector.load %arg4[%get3A_4, %get3A_5, %get3A_6] : memref<2x512x128xf32, #tpu.memory_space<vmem>>, vector<1x512x1xf32>
    %get3A_8 = vector.shape_cast %get3A_7 : vector<1x512x1xf32> to vector<512x1xf32>
    %add3A = arith.addf %get3A_3, %get3A_8 : vector<512x1xf32>
    %add3A_9 = arith.constant 1.000000e+00 : f32
    %add3A_10 = vector.broadcast %add3A_9 : f32 to vector<512x1xf32>
    %add3A_11 = arith.addf %add3A, %add3A_10 : vector<512x1xf32>
    %rsqrt3A = math.rsqrt %add3A_11 : vector<512x1xf32>
    %get3A_12 = arith.constant 0 : index
    %get3A_13 = arith.constant 0 : index
    %get3A_14 = vector.load %arg2[%get3A_12, %get3A_13] : memref<512x2048xf32, #tpu.memory_space<vmem>>, vector<512x2048xf32>
    %convert_element_type3A = arith.truncf %get3A_14 : vector<512x2048xf32> to vector<512x2048xbf16>
    %get3A_15 = arith.constant 0 : index
    %get3A_16 = arith.constant 0 : index
    %get3A_17 = vector.load %arg3[%get3A_15, %get3A_16] : memref<2048x128xf32, #tpu.memory_space<vmem>>, vector<2048x128xf32>
    %convert_element_type3A_18 = arith.truncf %get3A_17 : vector<2048x128xf32> to vector<2048x128xbf16>
    %dot_general3A = arith.constant dense<0.000000e+00> : vector<512x128xf32>
    %dot_general3A_19 = tpu.matmul %convert_element_type3A, %convert_element_type3A_18, %dot_general3A {dimension_numbers = #tpu.dot_dimension_numbers<[1], [0], [0], [1], [0, 0, 1, 1], [], []>, transpose_lhs_hint = false} : vector<512x2048xbf16>, vector<2048x128xbf16>, vector<512x128xf32> -> vector<512x128xf32>
    %mul3A = vector.broadcast %rsqrt3A : vector<512x1xf32> to vector<512x128xf32>
    %mul3A_20 = arith.mulf %mul3A, %dot_general3A_19 : vector<512x128xf32>
    %swap3A = arith.constant 0 : index
    %swap3A_21 = arith.constant 0 : index
    %swap3A_22 = arith.constant 0 : index
    %swap3A_23 = vector.load %arg5[%swap3A, %swap3A_21, %swap3A_22] : memref<1x512x128xf32, #tpu.memory_space<vmem>>, vector<1x512x128xf32>
    %swap3A_24 = vector.shape_cast %swap3A_23 : vector<1x512x128xf32> to vector<512x128xf32>
    %swap3A_25 = vector.shape_cast %mul3A_20 : vector<512x128xf32> to vector<1x512x128xf32>
    tpu.vector_store %arg5[%swap3A, %swap3A_21, %swap3A_22], %swap3A_25 {strides = array<i32>} : memref<1x512x128xf32, #tpu.memory_space<vmem>>, vector<1x512x128xf32>,
    return
  }
  func.func @transform_0(%arg0: i32, %arg1: i32) -> (i32, i32) {
    %c0_i32 = arith.constant 0 : i32
    %c0_i32_0 = arith.constant 0 : i32
    return %arg0, %c0_i32 : i32, i32
  }
  func.func @transform_1(%arg0: i32, %arg1: i32) -> (i32, i32) {
    %c0_i32 = arith.constant 0 : i32
    %c0_i32_0 = arith.constant 0 : i32
    return %c0_i32, %arg1 : i32, i32
  }
  func.func @transform_2(%arg0: i32, %arg1: i32) -> (i32, i32, i32) {
    %c0_i32 = arith.constant 0 : i32
    %c0_i32_0 = arith.constant 0 : i32
    %c0_i32_1 = arith.constant 0 : i32
    return %c0_i32, %arg0, %c0_i32_0 : i32, i32, i32
  }
  func.func @transform_3(%arg0: i32, %arg1: i32) -> (i32, i32, i32) {
    %c0_i32 = arith.constant 0 : i32
    %c0_i32_0 = arith.constant 0 : i32
    return %arg1, %arg0, %c0_i32 : i32, i32, i32
  }
}

module attributes {stable_mosaic.version = 14 : i64} {
  func.func @_ew_body(%arg0: i32, %arg1: i32, %arg2: memref<1x512x128xf32, #tpu.memory_space<vmem>>, %arg3: memref<1x512x128xf32, #tpu.memory_space<vmem>>, %arg4: memref<2x512x128xf32, #tpu.memory_space<vmem>>, %arg5: memref<1x128xf32, #tpu.memory_space<vmem>>, %arg6: memref<512x128xf32, #tpu.memory_space<vmem>>) attributes {dimension_semantics = [#tpu.dimension_semantics<arbitrary>, #tpu.dimension_semantics<arbitrary>], iteration_bounds = array<i64: 20, 8>, scalar_prefetch = 0 : i64, scratch_operands = 0 : i64, tpu.core_type = #tpu.core_type<tc>, window_params = [{transform_indices = @transform_0, window_bounds = array<i64: 1, 512, 128>}, {transform_indices = @transform_1, window_bounds = array<i64: 1, 512, 128>}, {transform_indices = @transform_2, window_bounds = array<i64: 2, 512, 128>}, {transform_indices = @transform_3, window_bounds = array<i64: 1, 128>}, {transform_indices = @transform_4, window_bounds = array<i64: 512, 128>}]} {
    %get3A = arith.constant 0 : index
    %get3A_0 = arith.constant 0 : index
    %get3A_1 = arith.constant 0 : index
    %get3A_2 = vector.load %arg4[%get3A, %get3A_0, %get3A_1] : memref<2x512x128xf32, #tpu.memory_space<vmem>>, vector<1x512x1xf32>
    %get3A_3 = vector.shape_cast %get3A_2 : vector<1x512x1xf32> to vector<512x1xf32>
    %get3A_4 = arith.constant 1 : index
    %get3A_5 = arith.constant 0 : index
    %get3A_6 = arith.constant 0 : index
    %get3A_7 = vector.load %arg4[%get3A_4, %get3A_5, %get3A_6] : memref<2x512x128xf32, #tpu.memory_space<vmem>>, vector<1x512x1xf32>
    %get3A_8 = vector.shape_cast %get3A_7 : vector<1x512x1xf32> to vector<512x1xf32>
    %add3A = arith.addf %get3A_3, %get3A_8 : vector<512x1xf32>
    %add3A_9 = arith.constant 1.000000e+00 : f32
    %add3A_10 = vector.broadcast %add3A_9 : f32 to vector<512x1xf32>
    %add3A_11 = arith.addf %add3A, %add3A_10 : vector<512x1xf32>
    %rsqrt3A = math.rsqrt %add3A_11 : vector<512x1xf32>
    %get3A_12 = arith.constant 0 : index
    %get3A_13 = arith.constant 0 : index
    %get3A_14 = arith.constant 0 : index
    %get3A_15 = vector.load %arg2[%get3A_12, %get3A_13, %get3A_14] : memref<1x512x128xf32, #tpu.memory_space<vmem>>, vector<1x512x128xf32>
    %get3A_16 = vector.shape_cast %get3A_15 : vector<1x512x128xf32> to vector<512x128xf32>
    %get3A_17 = arith.constant 0 : index
    %get3A_18 = arith.constant 0 : index
    %get3A_19 = arith.constant 0 : index
    %get3A_20 = vector.load %arg3[%get3A_17, %get3A_18, %get3A_19] : memref<1x512x128xf32, #tpu.memory_space<vmem>>, vector<1x512x128xf32>
    %get3A_21 = vector.shape_cast %get3A_20 : vector<1x512x128xf32> to vector<512x128xf32>
    %add3A_22 = arith.addf %get3A_16, %get3A_21 : vector<512x128xf32>
    %mul3A = vector.broadcast %rsqrt3A : vector<512x1xf32> to vector<512x128xf32>
    %mul3A_23 = arith.mulf %mul3A, %add3A_22 : vector<512x128xf32>
    %get3A_24 = arith.constant 0 : index
    %get3A_25 = arith.constant 0 : index
    %get3A_26 = vector.load %arg5[%get3A_24, %get3A_25] : memref<1x128xf32, #tpu.memory_space<vmem>>, vector<1x128xf32>
    %get3A_27 = vector.shape_cast %get3A_26 : vector<1x128xf32> to vector<128xf32>
    %broadcast_in_dim3A = vector.shape_cast %get3A_27 : vector<128xf32> to vector<1x128xf32>
    %add3A_28 = vector.broadcast %broadcast_in_dim3A : vector<1x128xf32> to vector<512x128xf32>
    %add3A_29 = arith.addf %mul3A_23, %add3A_28 : vector<512x128xf32>
    %max3A = arith.constant 0.000000e+00 : f32
    %max3A_30 = vector.broadcast %max3A : f32 to vector<512x128xf32>
    %max3A_31 = arith.maximumf %add3A_29, %max3A_30 : vector<512x128xf32>
    %swap3A = arith.constant 0 : index
    %swap3A_32 = arith.constant 0 : index
    %swap3A_33 = vector.load %arg6[%swap3A, %swap3A_32] : memref<512x128xf32, #tpu.memory_space<vmem>>, vector<512x128xf32>
    tpu.vector_store %arg6[%swap3A, %swap3A_32], %max3A_31 {strides = array<i32>} : memref<512x128xf32, #tpu.memory_space<vmem>>, vector<512x128xf32>,
    return
  }
  func.func @transform_0(%arg0: i32, %arg1: i32) -> (i32, i32, i32) {
    %c0_i32 = arith.constant 0 : i32
    %c0_i32_0 = arith.constant 0 : i32
    return %arg1, %arg0, %c0_i32 : i32, i32, i32
  }
  func.func @transform_1(%arg0: i32, %arg1: i32) -> (i32, i32, i32) {
    %c0_i32 = arith.constant 0 : i32
    %c0_i32_0 = arith.constant 0 : i32
    return %arg1, %arg0, %c0_i32 : i32, i32, i32
  }
  func.func @transform_2(%arg0: i32, %arg1: i32) -> (i32, i32, i32) {
    %c0_i32 = arith.constant 0 : i32
    %c0_i32_0 = arith.constant 0 : i32
    %c0_i32_1 = arith.constant 0 : i32
    return %c0_i32, %arg0, %c0_i32_0 : i32, i32, i32
  }
  func.func @transform_3(%arg0: i32, %arg1: i32) -> (i32, i32) {
    %c0_i32 = arith.constant 0 : i32
    %c0_i32_0 = arith.constant 0 : i32
    return %c0_i32, %arg1 : i32, i32
  }
  func.func @transform_4(%arg0: i32, %arg1: i32) -> (i32, i32) {
    %c0_i32 = arith.constant 0 : i32
    return %arg0, %arg1 : i32, i32
  }
}

module attributes {stable_mosaic.version = 14 : i64} {
  func.func @_mm_body(%arg0: i32, %arg1: i32, %arg2: memref<512x1024xf32, #tpu.memory_space<vmem>>, %arg3: memref<1024x128xf32, #tpu.memory_space<vmem>>, %arg4: memref<2x512x128xf32, #tpu.memory_space<vmem>>, %arg5: memref<1x512x128xf32, #tpu.memory_space<vmem>>) attributes {dimension_semantics = [#tpu.dimension_semantics<arbitrary>, #tpu.dimension_semantics<arbitrary>], iteration_bounds = array<i64: 20, 4>, scalar_prefetch = 0 : i64, scratch_operands = 0 : i64, tpu.core_type = #tpu.core_type<tc>, window_params = [{transform_indices = @transform_0, window_bounds = array<i64: 512, 1024>}, {transform_indices = @transform_1, window_bounds = array<i64: 1024, 128>}, {transform_indices = @transform_2, window_bounds = array<i64: 2, 512, 128>}, {transform_indices = @transform_3, window_bounds = array<i64: 1, 512, 128>}]} {
    %get3A = arith.constant 0 : index
    %get3A_0 = arith.constant 0 : index
    %get3A_1 = arith.constant 0 : index
    %get3A_2 = vector.load %arg4[%get3A, %get3A_0, %get3A_1] : memref<2x512x128xf32, #tpu.memory_space<vmem>>, vector<1x512x1xf32>
    %get3A_3 = vector.shape_cast %get3A_2 : vector<1x512x1xf32> to vector<512x1xf32>
    %get3A_4 = arith.constant 1 : index
    %get3A_5 = arith.constant 0 : index
    %get3A_6 = arith.constant 0 : index
    %get3A_7 = vector.load %arg4[%get3A_4, %get3A_5, %get3A_6] : memref<2x512x128xf32, #tpu.memory_space<vmem>>, vector<1x512x1xf32>
    %get3A_8 = vector.shape_cast %get3A_7 : vector<1x512x1xf32> to vector<512x1xf32>
    %add3A = arith.addf %get3A_3, %get3A_8 : vector<512x1xf32>
    %add3A_9 = arith.constant 1.000000e+00 : f32
    %add3A_10 = vector.broadcast %add3A_9 : f32 to vector<512x1xf32>
    %add3A_11 = arith.addf %add3A, %add3A_10 : vector<512x1xf32>
    %rsqrt3A = math.rsqrt %add3A_11 : vector<512x1xf32>
    %get3A_12 = arith.constant 0 : index
    %get3A_13 = arith.constant 0 : index
    %get3A_14 = vector.load %arg2[%get3A_12, %get3A_13] : memref<512x1024xf32, #tpu.memory_space<vmem>>, vector<512x1024xf32>
    %convert_element_type3A = arith.truncf %get3A_14 : vector<512x1024xf32> to vector<512x1024xbf16>
    %get3A_15 = arith.constant 0 : index
    %get3A_16 = arith.constant 0 : index
    %get3A_17 = vector.load %arg3[%get3A_15, %get3A_16] : memref<1024x128xf32, #tpu.memory_space<vmem>>, vector<1024x128xf32>
    %convert_element_type3A_18 = arith.truncf %get3A_17 : vector<1024x128xf32> to vector<1024x128xbf16>
    %dot_general3A = arith.constant dense<0.000000e+00> : vector<512x128xf32>
    %dot_general3A_19 = tpu.matmul %convert_element_type3A, %convert_element_type3A_18, %dot_general3A {dimension_numbers = #tpu.dot_dimension_numbers<[1], [0], [0], [1], [0, 0, 1, 1], [], []>, transpose_lhs_hint = false} : vector<512x1024xbf16>, vector<1024x128xbf16>, vector<512x128xf32> -> vector<512x128xf32>
    %mul3A = vector.broadcast %rsqrt3A : vector<512x1xf32> to vector<512x128xf32>
    %mul3A_20 = arith.mulf %mul3A, %dot_general3A_19 : vector<512x128xf32>
    %swap3A = arith.constant 0 : index
    %swap3A_21 = arith.constant 0 : index
    %swap3A_22 = arith.constant 0 : index
    %swap3A_23 = vector.load %arg5[%swap3A, %swap3A_21, %swap3A_22] : memref<1x512x128xf32, #tpu.memory_space<vmem>>, vector<1x512x128xf32>
    %swap3A_24 = vector.shape_cast %swap3A_23 : vector<1x512x128xf32> to vector<512x128xf32>
    %swap3A_25 = vector.shape_cast %mul3A_20 : vector<512x128xf32> to vector<1x512x128xf32>
    tpu.vector_store %arg5[%swap3A, %swap3A_21, %swap3A_22], %swap3A_25 {strides = array<i32>} : memref<1x512x128xf32, #tpu.memory_space<vmem>>, vector<1x512x128xf32>,
    return
  }
  func.func @transform_0(%arg0: i32, %arg1: i32) -> (i32, i32) {
    %c0_i32 = arith.constant 0 : i32
    %c0_i32_0 = arith.constant 0 : i32
    return %arg0, %c0_i32 : i32, i32
  }
  func.func @transform_1(%arg0: i32, %arg1: i32) -> (i32, i32) {
    %c0_i32 = arith.constant 0 : i32
    %c0_i32_0 = arith.constant 0 : i32
    return %c0_i32, %arg1 : i32, i32
  }
  func.func @transform_2(%arg0: i32, %arg1: i32) -> (i32, i32, i32) {
    %c0_i32 = arith.constant 0 : i32
    %c0_i32_0 = arith.constant 0 : i32
    %c0_i32_1 = arith.constant 0 : i32
    return %c0_i32, %arg0, %c0_i32_0 : i32, i32, i32
  }
  func.func @transform_3(%arg0: i32, %arg1: i32) -> (i32, i32, i32) {
    %c0_i32 = arith.constant 0 : i32
    %c0_i32_0 = arith.constant 0 : i32
    return %arg1, %arg0, %c0_i32 : i32, i32, i32
  }
}

module attributes {stable_mosaic.version = 14 : i64} {
  func.func @_ew_body(%arg0: i32, %arg1: i32, %arg2: memref<1x512x128xf32, #tpu.memory_space<vmem>>, %arg3: memref<1x512x128xf32, #tpu.memory_space<vmem>>, %arg4: memref<2x512x128xf32, #tpu.memory_space<vmem>>, %arg5: memref<1x128xf32, #tpu.memory_space<vmem>>, %arg6: memref<512x128xf32, #tpu.memory_space<vmem>>) attributes {dimension_semantics = [#tpu.dimension_semantics<arbitrary>, #tpu.dimension_semantics<arbitrary>], iteration_bounds = array<i64: 20, 4>, scalar_prefetch = 0 : i64, scratch_operands = 0 : i64, tpu.core_type = #tpu.core_type<tc>, window_params = [{transform_indices = @transform_0, window_bounds = array<i64: 1, 512, 128>}, {transform_indices = @transform_1, window_bounds = array<i64: 1, 512, 128>}, {transform_indices = @transform_2, window_bounds = array<i64: 2, 512, 128>}, {transform_indices = @transform_3, window_bounds = array<i64: 1, 128>}, {transform_indices = @transform_4, window_bounds = array<i64: 512, 128>}]} {
    %get3A = arith.constant 0 : index
    %get3A_0 = arith.constant 0 : index
    %get3A_1 = arith.constant 0 : index
    %get3A_2 = vector.load %arg4[%get3A, %get3A_0, %get3A_1] : memref<2x512x128xf32, #tpu.memory_space<vmem>>, vector<1x512x1xf32>
    %get3A_3 = vector.shape_cast %get3A_2 : vector<1x512x1xf32> to vector<512x1xf32>
    %get3A_4 = arith.constant 1 : index
    %get3A_5 = arith.constant 0 : index
    %get3A_6 = arith.constant 0 : index
    %get3A_7 = vector.load %arg4[%get3A_4, %get3A_5, %get3A_6] : memref<2x512x128xf32, #tpu.memory_space<vmem>>, vector<1x512x1xf32>
    %get3A_8 = vector.shape_cast %get3A_7 : vector<1x512x1xf32> to vector<512x1xf32>
    %add3A = arith.addf %get3A_3, %get3A_8 : vector<512x1xf32>
    %add3A_9 = arith.constant 1.000000e+00 : f32
    %add3A_10 = vector.broadcast %add3A_9 : f32 to vector<512x1xf32>
    %add3A_11 = arith.addf %add3A, %add3A_10 : vector<512x1xf32>
    %rsqrt3A = math.rsqrt %add3A_11 : vector<512x1xf32>
    %get3A_12 = arith.constant 0 : index
    %get3A_13 = arith.constant 0 : index
    %get3A_14 = arith.constant 0 : index
    %get3A_15 = vector.load %arg2[%get3A_12, %get3A_13, %get3A_14] : memref<1x512x128xf32, #tpu.memory_space<vmem>>, vector<1x512x128xf32>
    %get3A_16 = vector.shape_cast %get3A_15 : vector<1x512x128xf32> to vector<512x128xf32>
    %get3A_17 = arith.constant 0 : index
    %get3A_18 = arith.constant 0 : index
    %get3A_19 = arith.constant 0 : index
    %get3A_20 = vector.load %arg3[%get3A_17, %get3A_18, %get3A_19] : memref<1x512x128xf32, #tpu.memory_space<vmem>>, vector<1x512x128xf32>
    %get3A_21 = vector.shape_cast %get3A_20 : vector<1x512x128xf32> to vector<512x128xf32>
    %add3A_22 = arith.addf %get3A_16, %get3A_21 : vector<512x128xf32>
    %mul3A = vector.broadcast %rsqrt3A : vector<512x1xf32> to vector<512x128xf32>
    %mul3A_23 = arith.mulf %mul3A, %add3A_22 : vector<512x128xf32>
    %get3A_24 = arith.constant 0 : index
    %get3A_25 = arith.constant 0 : index
    %get3A_26 = vector.load %arg5[%get3A_24, %get3A_25] : memref<1x128xf32, #tpu.memory_space<vmem>>, vector<1x128xf32>
    %get3A_27 = vector.shape_cast %get3A_26 : vector<1x128xf32> to vector<128xf32>
    %broadcast_in_dim3A = vector.shape_cast %get3A_27 : vector<128xf32> to vector<1x128xf32>
    %add3A_28 = vector.broadcast %broadcast_in_dim3A : vector<1x128xf32> to vector<512x128xf32>
    %add3A_29 = arith.addf %mul3A_23, %add3A_28 : vector<512x128xf32>
    %swap3A = arith.constant 0 : index
    %swap3A_30 = arith.constant 0 : index
    %swap3A_31 = vector.load %arg6[%swap3A, %swap3A_30] : memref<512x128xf32, #tpu.memory_space<vmem>>, vector<512x128xf32>
    tpu.vector_store %arg6[%swap3A, %swap3A_30], %add3A_29 {strides = array<i32>} : memref<512x128xf32, #tpu.memory_space<vmem>>, vector<512x128xf32>,
    return
  }
  func.func @transform_0(%arg0: i32, %arg1: i32) -> (i32, i32, i32) {
    %c0_i32 = arith.constant 0 : i32
    %c0_i32_0 = arith.constant 0 : i32
    return %arg1, %arg0, %c0_i32 : i32, i32, i32
  }
  func.func @transform_1(%arg0: i32, %arg1: i32) -> (i32, i32, i32) {
    %c0_i32 = arith.constant 0 : i32
    %c0_i32_0 = arith.constant 0 : i32
    return %arg1, %arg0, %c0_i32 : i32, i32, i32
  }
  func.func @transform_2(%arg0: i32, %arg1: i32) -> (i32, i32, i32) {
    %c0_i32 = arith.constant 0 : i32
    %c0_i32_0 = arith.constant 0 : i32
    %c0_i32_1 = arith.constant 0 : i32
    return %c0_i32, %arg0, %c0_i32_0 : i32, i32, i32
  }
  func.func @transform_3(%arg0: i32, %arg1: i32) -> (i32, i32) {
    %c0_i32 = arith.constant 0 : i32
    %c0_i32_0 = arith.constant 0 : i32
    return %c0_i32, %arg1 : i32, i32
  }
  func.func @transform_4(%arg0: i32, %arg1: i32) -> (i32, i32) {
    %c0_i32 = arith.constant 0 : i32
    return %arg0, %arg1 : i32, i32
  }
}

</mosaic_0001>

<sc_bundles>
// kernel: kernel.12.cloned.1.call-start
scs
__scs_entry_jumppad:
0x0: {  	(pc) =	sbr.rel $0x88, $3  }
0x1: {  	(tag) =	ssettag $0x0;
	lr =	simm.s32 $0x1  }
0x2: {  	[smem:$0x3F9B] =	sst lr;
	_ =	strace $0xD0000000  }
0x3: {  	_ = 	snop  }
0x4: {  	_ = 	snop  }
0x5: {  	_ = 	snop  }
0x6: {  	_ = 	snop  }
0x7: {  	_ = 	snop  }
__scs_overlays_trampoline_lowered:
0x8: {  	[smem:$0x3FAA] =	sst s0  }
0x9: {  	[smem:$0x3FAB] =	sst s1  }
0xa: {  	[smem:$0x3FAC] =	sst s2  }
0xb: {  	[smem:$0x3FAD] =	sst s3  }
0xc: {  	[smem:$0x3FAE] =	sst s4  }
0xd: {  	[smem:$0x3FAF] =	sst s5  }
0xe: {  	[smem:$0x3FB0] =	sst s6  }
0xf: {  	[smem:$0x3FB1] =	sst s7  }
0x10: {  	[smem:$0x3FB2] =	sst s8  }
0x11: {  	[smem:$0x3FB3] =	sst s9;
	s0 =	simm.s32 @!p0 $0x0  }
0x12: {  	s1 =	sld [smem:$0x3F99];
	s0 =	simm.s32 @p0 $0x1  }
0x13: {  	[smem:$0x3FB4] =	sst s0;
	s0 =	simm.s32 @!p1 $0x0  }
0x14: {  	s2 =	sld [smem:$0x3F98];
	s0 =	simm.s32 @p1 $0x1  }
0x15: {  	[smem:$0x3FB5] =	sst s0;
	s0 =	simm.s32 @!p2 $0x0  }
0x16: {  	s3 =	sld [smem:$0x3FDB];
	s0 =	simm.s32 @p2 $0x1  }
0x17: {  	s4 =	simm.s32 $0x1BF5;
	[smem:$0x3FB7] =	sst s0  }
0x18: {  	s0 =	sld [smem:$0x3F9A];
	_ =	swait.ge [sflag:s4], $0x0  }
0x19: {  	s7 =	sld [smem:$0x3F9B]  }
0x1a: {  	s8 =	sadd.s32 $0xFFFFE003, lr  }
0x1b: {  	s9 =	sadd.s32 $0xFFFFFEF7, lr;
	s5 =	simm.s32 $0xFFFFFFFF;
	p2 =	slt.u32 s8, $0xFFFFF086  }
0x1c: {  	p1 =	slt.u32 s9, $0xF7A;
	s5 =	simm.s32 @!p2 $0x0  }
0x1d: {  	s5 =	simm.s32 @p1 $0x1;
	p0 =	seq.s32 s7, s2  }
0x1e: {  	s7 =	smul.u32 @!p0 $0xF7A, s2;
	p2 =	seq.s32 @!p0 s5, $0x0  }
0x1f: {  	s9 =	smul.u32 $0xF7A, s1;
	s8 =	simm.s32 @!p0 $0x1BF5;
	p2 =	por !p2, p0  }
0x20: {  	[sflag:s8] =	ssyncset.s32 @!p0 $0xFFFFF086;
	s6 =	sadd.s32 @!p0 s3, s7;
	s7 =	simm.s32 @!p0 $0x108  }
0x21: {  	s3 =	sadd.s32 s3, s9;
	s6 =	sadd.s32 @!p0 $0x88, s6;
	s7 =	simm.s32 @p2 $0x1082  }
0x22: {  	[simem:s7], [sflag:s8] =	dma.local @!p0 [hbm:s6], $0xF7A  }
0x23: {  	s9 =	sor.u32 $0xD0000000, s2;
	s6 =	simm.s32 $0x108;
	_ =	swait.ge @!p0 [sflag:s8], $0x0  }
0x24: {  	s3 =	sadd.s32 $0x88, s3;
	s6 =	simm.s32 @!p1 $0x1082;
	[sflag:s4] =	ssyncset.s32 $0xFFFFF086  }
0x25: {  	[simem:s6], [sflag:s4] =	dma.local [hbm:s3], $0xF7A  }
0x26: {  	[smem:$0x3F9B] =	sst s1;
	(tag) =	ssettag s2;
	_ =	strace s9  }
0x27: {  	s1 =	sld [smem:$0x3FAB]  }
0x28: {  	s2 =	sld [smem:$0x3FAC]  }
0x29: {  	s4 =	sld [smem:$0x3FAE]  }
0x2a: {  	p0 =	seq.s32 s5, $0x0;
	s5 =	sld [smem:$0x3FAF]  }
0x2b: {  	s6 =	sld [smem:$0x3FB0]  }
0x2c: {  	s7 =	sld [smem:$0x3FB1]  }
0x2d: {  	s3 =	simm.s32 $0x108;
	s8 =	sld [smem:$0x3FB2]  }
0x2e: {  	s3 =	simm.s32 @!p0 $0x1082;
	s9 =	sld [smem:$0x3FB3]  }
0x2f: {  	lr =	sadd.s32 s0, s3;
	s0 =	sld [smem:$0x3FAA]  }
0x30: {  	s3 =	sld [smem:$0x3FAD]  }
0x31: {  	[smem:$0x3FB6] =	sst s10  }
0x32: {  	s10 =	sld [smem:$0x3FB4];
	_ =	sdelay $0x3  }
0x33: {  	p0 =	seq.s32 s10, $0x1;
	s10 =	sld [smem:$0x3FB6];
	_ =	sdelay $0x3  }
0x34: {  	[smem:$0x3FB6] =	sst s10  }
0x35: {  	s10 =	sld [smem:$0x3FB5];
	_ =	sdelay $0x3  }
0x36: {  	p1 =	seq.s32 s10, $0x1;
	s10 =	sld [smem:$0x3FB6];
	_ =	sdelay $0x3  }
0x37: {  	[smem:$0x3FB6] =	sst s10  }
0x38: {  	s10 =	sld [smem:$0x3FB7]  }
0x39: {  	_ = 	snop;
	(pc) =	sbr.ind lr, $3  }
0x3a: {  	_ = 	snop  }
0x3b: {  	_ = 	snop  }
0x3c: {  	p2 =	seq.s32 s10, $0x1;
	s10 =	sld [smem:$0x3FB6]  }
0x3d: {  	_ =	shalt  }
0x3e: {  	_ =	shalt  }
0x3f: {  	_ =	shalt  }
0x40: {  	_ =	shalt  }
0x41: {  	_ =	shalt  }
0x42: {  	_ =	shalt  }
0x43: {  	_ =	shalt  }
0x44: {  	_ =	shalt  }
0x45: {  	_ =	shalt  }
0x46: {  	_ =	shalt  }
0x47: {  	_ =	shalt  }
0x48: {  	_ =	shalt  }
0x49: {  	_ =	shalt  }
0x4a: {  	_ =	shalt  }
0x4b: {  	_ =	shalt  }
0x4c: {  	_ =	shalt  }
0x4d: {  	_ =	shalt  }
0x4e: {  	_ =	shalt  }
0x4f: {  	_ =	shalt  }
0x50: {  	_ =	shalt  }
0x51: {  	_ =	shalt  }
0x52: {  	_ =	shalt  }
0x53: {  	_ =	shalt  }
0x54: {  	_ =	shalt  }
0x55: {  	_ =	shalt  }
0x56: {  	_ =	shalt  }
0x57: {  	_ =	shalt  }
0x58: {  	_ =	shalt  }
0x59: {  	_ =	shalt  }
0x5a: {  	_ =	shalt  }
0x5b: {  	_ =	shalt  }
0x5c: {  	_ =	shalt  }
0x5d: {  	_ =	shalt  }
0x5e: {  	_ =	shalt  }
0x5f: {  	_ =	shalt  }
0x60: {  	_ =	shalt  }
0x61: {  	_ =	shalt  }
0x62: {  	_ =	shalt  }
0x63: {  	_ =	shalt  }
0x64: {  	_ =	shalt  }
0x65: {  	_ =	shalt  }
0x66: {  	_ =	shalt  }
0x67: {  	_ =	shalt  }
0x68: {  	_ =	shalt  }
0x69: {  	_ =	shalt  }
0x6a: {  	_ =	shalt  }
0x6b: {  	_ =	shalt  }
0x6c: {  	_ =	shalt  }
0x6d: {  	_ =	shalt  }
0x6e: {  	_ =	shalt  }
0x6f: {  	_ =	shalt  }
0x70: {  	_ =	shalt  }
0x71: {  	_ =	shalt  }
0x72: {  	_ =	shalt  }
0x73: {  	_ =	shalt  }
0x74: {  	_ =	shalt  }
0x75: {  	_ =	shalt  }
0x76: {  	_ =	shalt  }
0x77: {  	_ =	shalt  }
0x78: {  	_ =	shalt  }
0x79: {  	_ =	shalt  }
0x7a: {  	_ =	shalt  }
0x7b: {  	_ =	shalt  }
0x7c: {  	_ =	shalt  }
0x7d: {  	_ =	shalt  }
0x7e: {  	_ =	shalt  }
0x7f: {  	_ =	shalt  }
0x80: {  	_ =	shalt  }
0x81: {  	_ =	shalt  }
0x82: {  	_ =	shalt  }
0x83: {  	_ =	shalt  }
0x84: {  	_ =	shalt  }
0x85: {  	_ =	shalt  }
0x86: {  	_ =	shalt  }
0x87: {  	_ =	shalt  }
.Lfunc_end0:
.L_simem_size_0:
called_computation.1_lowered:
.L_overlay_start_0:
0x88: {  	s2 =	sld [smem:$0x3FD9]  }
0x89: {  	s3 =	sld [smem:$0x3FFE];
	_ =	sdelay $0x1  }
0x8a: {  	s1 =	srdreg.scid  }
0x8b: {  	s0 =	sand.u32 $0x1, s1  }
0x8c: {  	s17 =	sshll.u32 s0, $0xA;
	s2 =	sadd.s32 s3, s2  }
0x8d: {  	s2 =	sadd.s32 s2, s17  }
0x8e: {  	[smem:$0x3FC2] =	sst s2  }
0x8f: {  	_ = 	snop  }
0x90: {  	s2 =	sld [smem:$0x3FD0];
	(tm) =	ssettm $0x1  }
0x91: {  	s18 =	sld [smem:$0x3FFB];
	_ =	sdelay $0x3  }
0x92: {  	_ =	strace s18  }
0x93: {  	s3 =	sld [smem:$0x3FFC];
	_ =	sdelay $0x3  }
0x94: {  	_ =	strace s3  }
0x95: {  	s3 =	sld [smem:$0x3FFD];
	_ =	sdelay $0x3  }
0x96: {  	_ =	strace s3  }
0x97: {  	_ =	strace $0x8FFFFFFF  }
0x98: {  	s19 =	sld [smem:$0x3FDB];
	_ =	sdelay $0x1  }
0x99: {  	s4 =	simm.s32 $_scs_section_size  }
0x9a: {  	s5 =	simm.s32 $_size__tile_overlayer_lowered;
	s6 =	simm.s32 $_tile_overlayer_lowered  }
0x9b: {  	s22 =	simm.s32 $0x1BFF;
	s21 =	sshll.u32 s6, $0x1;
	s3 =	sadd.s32 s4, s19  }
0x9c: {  	s7 =	simm.s32 $0x0;
	s20 =	sshll.u32 s5, $0x1;
	s5 =	sadd.s32 s21, s3  }
0x9d: {  	[timem:s7], [sflag:s22] =	dma.local [hbm:s5], s20  }
0x9e: {  	_ =	swait.ge [sflag:s22], s20  }
0x9f: {  	s4 =	ssub.s32 $0x0, s20;
	[sflag:s22] =	ssyncset.done $0x0  }
0xa0: {  	[sflag:s22] =	ssyncadd.s32 s4;
	_ =	sdelay $0x1  }
0xa1: {  	s23 =	simm.s32 $0x1B8B  }
0xa2: {  	_ =	swait.ge [sflag:s23], $0x1  }
0xa3: {  	[sflag:s23] =	ssyncset.done $0x0  }
0xa4: {  	s25 =	simm.s32 $0x1B8E;
	s24 =	sld [smem:$0x3FFE];
	[sflag:s23] =	ssyncadd.s32 $0xFFFFFFFF  }
0xa5: {  	s26 =	simm.s32 $execute0_lowered;
	[smem:$0x3FD2] =	sst s25  }
0xa6: {  	s5 =	sshll.u32 s26, $0x1;
	_ =	strace $0x80000049;
	[dreg:$0x1] =	wrdreg $0xFFFFFFFF  }
0xa7: {  	s28 =	simm.s32 $_size_execute0_lowered;
	s3 =	sadd.s32 s3, s5;
	[dreg:$0x0] =	wrdreg $0x0  }
0xa8: {  	s5 =	sshll.u32 s28, $0x1;
	[dreg:$0x2] =	wrdreg s3  }
0xa9: {  	[dreg:$0x3] =	wrdreg s5  }
0xaa: {  	[dreg:$0x4] =	wrdreg $0xC0  }
0xab: {  	_ =	task [dreg:s7], $0x5FFFF  }
0xac: {  	[dreg:$0x1] =	wrdreg $0xFFFFFFFF  }
0xad: {  	[dreg:$0x0] =	wrdreg $0x60  }
0xae: {  	[dreg:$0x2] =	wrdreg s24  }
0xaf: {  	[dreg:$0x3] =	wrdreg s2  }
0xb0: {  	[dreg:$0x4] =	wrdreg $0xA8000  }
0xb1: {  	[dreg:$0x5] =	wrdreg $0x9  }
0xb2: {  	_ =	task.clear_ibuf [dreg:s7], $0x6FFFF;
	_ =	strace $0x90000049  }
0xb3: {  	s29 =	simm.s32 $0x9;
	_ =	strace $0x8000004B  }
0xb4: {  	_ =	swait.ge [sflag:s29], $0x1  }
0xb5: {  	[sflag:s29] =	ssyncadd.s32 $0xFFFFFFFF  }
0xb6: {  	_ =	strace $0x9000004B  }
0xb7: {  	_ =	sfence  }
0xb8: {  	s30 =	sld [smem:$0x0];
	_ =	sdelay $0x2  }
0xb9: {  	s31 =	sshll.u32 s1, $0xD;
	s1 =	sshrl.u32 s1, $0x2  }
0xba: {  	s3 =	sand.u32 $0x4000, s31;
	s1 =	sadd.s32 s1, s30  }
0xbb: {  	s0 =	sor.u32 s3, s0;
	s1 =	sshll.u32 s1, $0x11  }
0xbc: {  	s0 =	sor.u32 s1, s0  }
0xbd: {  	s0 =	sadd.s32 $0x8F2B, s0  }
0xbe: {  	[sflag:s0] =	ssyncadd.remote.s32 $0x1  }
0xbf: {  	_ =	sfence.sel $0xFFFF  }
0xc0: {  	[dreg:$0x0] =	wrdreg $0xFFFFFFFF;
	(pc) =	sbr.abs _section_cstart, $3  }
0xc1: {  	[dreg:$0x1] =	wrdreg $0xFFFFFFFF  }
0xc2: {  	_ =	task.clear_ibuf [dreg:s7], $0x2FFFF;
	_ =	strace $0x9FFFFFFF  }
0xc3: {  	(tm) =	ssettm $0x7FFFFFFF  }
tec
execute0_lowered:
.L_overlay_start_1:
0x0: {  	(tag) =	ssettag $0x1  }
0x1: {  	s7 =	rddreg [dreg:$0x0]  }
0x2: {  	s1 =	rddreg [dreg:$0x1]  }
0x3: {  	s2 =	rddreg [dreg:$0x2]  }
0x4: {  	s0 =	rddreg [dreg:$0x3]  }
0x5: {  	s4 =	simm.s32 $0x0;
	s5 =	srdreg.scid;
	s3 =	stileid.u32  }
0x6: {  	s14 =	simm.s32 $0x3;
	s15 =	simm.s32 $0x1400;
	s16 =	simm.s32 $0x2800  }
0x7: {  	s17 =	simm.s32 $0x80;
	s18 =	simm.s32 $0x6800;
	s19 =	simm.s32 $0x1  }
0x8: {  	s20 =	simm.s32 $0x2;
	s21 =	simm.s32 $0x0;
	[smem:$0x7FF] =	sst s4  }
0x9: {  	s8 =	sand.u32 $0x1, s5;
	s5 =	sadd.s32 $0x2D9600, s7;
	s10 =	smul.u32 $0x50000, s3  }
0xa: {  	s6 =	sadd.s32 $0x6600, s7;
	s7 =	sadd.s32 $0x8E00, s7;
	s9 =	ssub.s32 $0x2, s8  }
0xb: {  	s31 =	sshll.u32 s3, $0x6;
	_ =	strace $0x8000004A;
	s11 =	sshrl.u32 s9, $0x1  }
0xc: {  	s8 =	sshll.u32 s8, $0x2;
	s10 =	sshrl.u32 s10, $0x2;
	s12 =	ssub.s32 s9, s11  }
0xd: {  	s9 =	smul.u32 $0x280, s3;
	s13 =	sadd.s32 s10, s2;
	s10 =	sor.u32 $0x1C03, s31  }
0xe: {  	s11 =	smul.u32 $0x5000, s3;
	s12 =	smax.u32 s12, $0x1;
	s13 =	sshrl.u32 s13, $0x3  }
.LBB2_1:
0xf: {  	s22 =	simm.s32 $0x0  }
.LBB2_2:
0x10: {  	s23 =	sadd.s32 s8, s22  }
0x11: {  	[spmem:s13], [sflag:s10] =	dma.local [hbm:s6], $0x2800  }
0x12: {  	s24 =	smul.u32 $0x50000, s23  }
0x13: {  	_ =	swait.ge [sflag:s14], $0x2800  }
0x14: {  	[sflag:s14] =	ssyncset.done $0x0;
	s24 =	sadd.s32 s11, s24  }
0x15: {  	[sflag:s14] =	ssyncadd.s32 $0xFFFFD800;
	s24 =	sshrl.u32 s24, $0x3  }
0x16: {  	[bflag:$0x0] =	sbarrier.arrive $0xFFFF;
	s24 =	sadd.s32 s1, s24  }
0x17: {  	[tilespmem:s4], [sflag:$0x3] =	stream.strided.gather [hbm4b:s24+s15], $0x2800, s16, s15, $0x38;
	[tilespmem:$0x1E800] =	vst v63  }
0x18: {  	_ =	swait.ge [sflag:s14], $0x2800  }
0x19: {  	[sflag:s14] =	ssyncset.done $0x0  }
0x1a: {  	s25 =	simm.s32 $0x0;
	[sflag:s14] =	ssyncadd.s32 $0xFFFFD800  }
0x1b: {  	[tilespmem:s16], [sflag:$0x1] =	stream.indirect.gather [hbm4b:s5+s17], $0x80, s25, s17, $0xb8;
	[tilespmem:$0x1E800] =	vst v63  }
0x1c: {  	s29 =	simm.s32 $0x80  }
0x1d: {  	[tilespmem:s18], [sflag:$0x2] =	stream.indirect.gather [hbm4b:s5+s17], $0x80, s29, s17, $0xb8;
	[tilespmem:$0x1E800] =	vst v63  }
0x1e: {  	_ =	swait.ge [sflag:s19], $0x4000  }
0x1f: {  	[sflag:s19] =	ssyncset.done $0x0  }
0x20: {  	s30 =	simm.s32 $0x1400;
	[sflag:s19] =	ssyncadd.s32 $0xFFFFC000  }
0x21: {  	[spmem:s2] =	stream.indirect.scatter.add.f32 [tilespmem:s16], [sflag:$0x3], $0x80, s30, s17, $0xb8;
	[tilespmem:$0x1E800] =	vst v63  }
0x22: {  	_ =	swait.ge [sflag:s14], $0x4000  }
0x23: {  	[sflag:s14] =	ssyncset.done $0x0  }
0x24: {  	[sflag:s14] =	ssyncadd.s32 $0xFFFFC000  }
0x25: {  	_ =	swait.ge [sflag:s20], $0x4000  }
0x26: {  	[sflag:s20] =	ssyncset.done $0x0  }
0x27: {  	s31 =	simm.s32 $0x1480;
	[sflag:s20] =	ssyncadd.s32 $0xFFFFC000  }
0x28: {  	[spmem:s2] =	stream.indirect.scatter.add.f32 [tilespmem:s18], [sflag:$0x3], $0x80, s31, s17, $0xb8;
	[tilespmem:$0x1E800] =	vst v63  }
0x29: {  	_ =	swait.ge [sflag:s14], $0x4000  }
0x2a: {  	s26 =	simm.s32 $0xA00;
	s25 =	simm.s32 $0x180;
	[sflag:s14] =	ssyncset.done $0x0  }
.LBB2_3:
0x2b: {  	s28 =	sadd.s32 $0xFFFFFF80, s25  }
0x2c: {  	[sflag:s14] =	ssyncadd.s32 $0xFFFFC000;
	s29 =	smov.u32 s26;
	s30 =	sadd.s32 $0x400, s26  }
0x2d: {  	[tilespmem:s16], [sflag:$0x1] =	stream.indirect.gather [hbm4b:s5+s17], $0x80, s28, s17, $0xb8;
	[tilespmem:$0x1E800] =	vst v63  }
0x2e: {  	p0 =	sne.s32 s26, $0x4E00  }
0x2f: {  	[tilespmem:s18], [sflag:$0x2] =	stream.indirect.gather [hbm4b:s5+s17], $0x80, s25, s17, $0xb8;
	[tilespmem:$0x1E800] =	vst v63  }
0x30: {  	_ =	swait.ge [sflag:s19], $0x4000  }
0x31: {  	[sflag:s19] =	ssyncset.done $0x0  }
0x32: {  	s26 =	sadd.s32 $0x1380, s25;
	[sflag:s19] =	ssyncadd.s32 $0xFFFFC000  }
0x33: {  	[spmem:s2] =	stream.indirect.scatter.add.f32 [tilespmem:s16], [sflag:$0x3], $0x80, s26, s17, $0xb8;
	[tilespmem:$0x1E800] =	vst v63  }
0x34: {  	_ =	swait.ge [sflag:s14], $0x4000  }
0x35: {  	[sflag:s14] =	ssyncset.done $0x0  }
0x36: {  	[sflag:s14] =	ssyncadd.s32 $0xFFFFC000  }
0x37: {  	_ =	swait.ge [sflag:s20], $0x4000  }
.Ltmp0:
0x38: {  	[sflag:s20] =	ssyncset.done $0x0;
	(pc) =	sbr.rel @p0 .LBB2_3-.Ltmp0, $4  }
0x39: {  	s25 =	sadd.s32 $0x1400, s25;
	[sflag:s20] =	ssyncadd.s32 $0xFFFFC000  }
0x3a: {  	[spmem:s2] =	stream.indirect.scatter.add.f32 [tilespmem:s18], [sflag:$0x3], $0x80, s25, s17, $0xb8;
	[tilespmem:$0x1E800] =	vst v63  }
0x3b: {  	_ =	swait.ge [sflag:s14], $0x4000  }
0x3c: {  	s26 =	smov.u32 s30;
	s25 =	sshra.s32 s29, $0x2;
	[sflag:s14] =	ssyncset.done $0x0  }
0x3d: {  	s26 =	sadd.s32 $0xFFFFFF80, s25;
	[sflag:s14] =	ssyncadd.s32 $0xFFFFC000  }
0x3e: {  	[tilespmem:s16], [sflag:$0x1] =	stream.indirect.gather [hbm4b:s5+s17], $0x80, s26, s17, $0xb8;
	[tilespmem:$0x1E800] =	vst v63  }
0x3f: {  	_ = 	snop  }
0x40: {  	[tilespmem:s18], [sflag:$0x2] =	stream.indirect.gather [hbm4b:s5+s17], $0x80, s25, s17, $0xb8;
	[tilespmem:$0x1E800] =	vst v63  }
0x41: {  	_ =	swait.ge [sflag:s19], $0x4000  }
0x42: {  	[sflag:s19] =	ssyncset.done $0x0  }
0x43: {  	s31 =	sadd.s32 $0x1380, s25;
	[sflag:s19] =	ssyncadd.s32 $0xFFFFC000  }
0x44: {  	[spmem:s2] =	stream.indirect.scatter.add.f32 [tilespmem:s16], [sflag:$0x3], $0x80, s31, s17, $0xb8;
	[tilespmem:$0x1E800] =	vst v63  }
0x45: {  	_ =	swait.ge [sflag:s14], $0x4000  }
0x46: {  	[sflag:s14] =	ssyncset.done $0x0  }
0x47: {  	[sflag:s14] =	ssyncadd.s32 $0xFFFFC000  }
0x48: {  	_ =	swait.ge [sflag:s20], $0x4000  }
0x49: {  	[sflag:s20] =	ssyncset.done $0x0  }
0x4a: {  	s26 =	sadd.s32 $0x1400, s25;
	[sflag:s20] =	ssyncadd.s32 $0xFFFFC000  }
0x4b: {  	[spmem:s2] =	stream.indirect.scatter.add.f32 [tilespmem:s18], [sflag:$0x3], $0x80, s26, s17, $0xb8;
	[tilespmem:$0x1E800] =	vst v63  }
0x4c: {  	_ =	swait.ge [sflag:s14], $0x4000  }
0x4d: {  	[sflag:s14] =	ssyncset.done $0x0  }
0x4e: {  	s24 =	sadd.s32 $0x280, s24;
	[sflag:s14] =	ssyncadd.s32 $0xFFFFC000  }
0x4f: {  	[tilespmem:s4], [sflag:$0x3] =	stream.strided.gather [hbm4b:s24+s15], $0x2800, s16, s15, $0x38;
	[tilespmem:$0x1E800] =	vst v63  }
0x50: {  	_ =	swait.ge [sflag:s14], $0x2800  }
0x51: {  	[sflag:s14] =	ssyncset.done $0x0  }
0x52: {  	s28 =	simm.s32 $0x0;
	[sflag:s14] =	ssyncadd.s32 $0xFFFFD800  }
0x53: {  	[tilespmem:s16], [sflag:$0x1] =	stream.indirect.gather [hbm4b:s5+s17], $0x80, s28, s17, $0xb8;
	[tilespmem:$0x1E800] =	vst v63  }
0x54: {  	s29 =	simm.s32 $0x80  }
0x55: {  	[tilespmem:s18], [sflag:$0x2] =	stream.indirect.gather [hbm4b:s5+s17], $0x80, s29, s17, $0xb8;
	[tilespmem:$0x1E800] =	vst v63  }
0x56: {  	_ =	swait.ge [sflag:s19], $0x4000  }
0x57: {  	[sflag:s19] =	ssyncset.done $0x0  }
0x58: {  	s30 =	simm.s32 $0x1400;
	[sflag:s19] =	ssyncadd.s32 $0xFFFFC000  }
0x59: {  	[spmem:s2] =	stream.indirect.scatter.add.f32 [tilespmem:s16], [sflag:$0x3], $0x80, s30, s17, $0xb8;
	[tilespmem:$0x1E800] =	vst v63  }
0x5a: {  	_ =	swait.ge [sflag:s14], $0x4000  }
0x5b: {  	[sflag:s14] =	ssyncset.done $0x0  }
0x5c: {  	[sflag:s14] =	ssyncadd.s32 $0xFFFFC000  }
0x5d: {  	_ =	swait.ge [sflag:s20], $0x4000  }
0x5e: {  	[sflag:s20] =	ssyncset.done $0x0  }
0x5f: {  	s31 =	simm.s32 $0x1480;
	[sflag:s20] =	ssyncadd.s32 $0xFFFFC000  }
0x60: {  	[spmem:s2] =	stream.indirect.scatter.add.f32 [tilespmem:s18], [sflag:$0x3], $0x80, s31, s17, $0xb8;
	[tilespmem:$0x1E800] =	vst v63  }
0x61: {  	_ =	swait.ge [sflag:s14], $0x4000  }
0x62: {  	s25 =	simm.s32 $0xA00;
	s24 =	simm.s32 $0x180;
	[sflag:s14] =	ssyncset.done $0x0  }
.LBB2_5:
0x63: {  	s26 =	sadd.s32 $0xFFFFFF80, s24  }
0x64: {  	[sflag:s14] =	ssyncadd.s32 $0xFFFFC000;
	s28 =	smov.u32 s25;
	s29 =	sadd.s32 $0x400, s25  }
0x65: {  	[tilespmem:s16], [sflag:$0x1] =	stream.indirect.gather [hbm4b:s5+s17], $0x80, s26, s17, $0xb8;
	[tilespmem:$0x1E800] =	vst v63  }
0x66: {  	p0 =	sne.s32 s25, $0x4E00  }
0x67: {  	[tilespmem:s18], [sflag:$0x2] =	stream.indirect.gather [hbm4b:s5+s17], $0x80, s24, s17, $0xb8;
	[tilespmem:$0x1E800] =	vst v63  }
0x68: {  	_ =	swait.ge [sflag:s19], $0x4000  }
0x69: {  	[sflag:s19] =	ssyncset.done $0x0  }
0x6a: {  	s25 =	sadd.s32 $0x1380, s24;
	[sflag:s19] =	ssyncadd.s32 $0xFFFFC000  }
0x6b: {  	[spmem:s2] =	stream.indirect.scatter.add.f32 [tilespmem:s16], [sflag:$0x3], $0x80, s25, s17, $0xb8;
	[tilespmem:$0x1E800] =	vst v63  }
0x6c: {  	_ =	swait.ge [sflag:s14], $0x4000  }
0x6d: {  	[sflag:s14] =	ssyncset.done $0x0  }
0x6e: {  	[sflag:s14] =	ssyncadd.s32 $0xFFFFC000  }
0x6f: {  	_ =	swait.ge [sflag:s20], $0x4000  }
.Ltmp1:
0x70: {  	[sflag:s20] =	ssyncset.done $0x0;
	(pc) =	sbr.rel @p0 .LBB2_5-.Ltmp1, $4  }
0x71: {  	s24 =	sadd.s32 $0x1400, s24;
	[sflag:s20] =	ssyncadd.s32 $0xFFFFC000  }
0x72: {  	[spmem:s2] =	stream.indirect.scatter.add.f32 [tilespmem:s18], [sflag:$0x3], $0x80, s24, s17, $0xb8;
	[tilespmem:$0x1E800] =	vst v63  }
0x73: {  	_ =	swait.ge [sflag:s14], $0x4000  }
0x74: {  	s25 =	smov.u32 s29;
	s24 =	sshra.s32 s28, $0x2;
	[sflag:s14] =	ssyncset.done $0x0  }
0x75: {  	s25 =	sadd.s32 $0xFFFFFF80, s24;
	[sflag:s14] =	ssyncadd.s32 $0xFFFFC000  }
0x76: {  	[tilespmem:s16], [sflag:$0x1] =	stream.indirect.gather [hbm4b:s5+s17], $0x80, s25, s17, $0xb8;
	[tilespmem:$0x1E800] =	vst v63  }
0x77: {  	_ = 	snop  }
0x78: {  	[tilespmem:s18], [sflag:$0x2] =	stream.indirect.gather [hbm4b:s5+s17], $0x80, s24, s17, $0xb8;
	[tilespmem:$0x1E800] =	vst v63  }
0x79: {  	_ =	swait.ge [sflag:s19], $0x4000  }
0x7a: {  	[sflag:s19] =	ssyncset.done $0x0  }
0x7b: {  	s30 =	sadd.s32 $0x1380, s24;
	[sflag:s19] =	ssyncadd.s32 $0xFFFFC000  }
0x7c: {  	[spmem:s2] =	stream.indirect.scatter.add.f32 [tilespmem:s16], [sflag:$0x3], $0x80, s30, s17, $0xb8;
	[tilespmem:$0x1E800] =	vst v63  }
0x7d: {  	_ =	swait.ge [sflag:s14], $0x4000  }
0x7e: {  	[sflag:s14] =	ssyncset.done $0x0  }
0x7f: {  	[sflag:s14] =	ssyncadd.s32 $0xFFFFC000  }
0x80: {  	_ =	swait.ge [sflag:s20], $0x4000  }
0x81: {  	[sflag:s20] =	ssyncset.done $0x0  }
0x82: {  	s31 =	sadd.s32 $0x1400, s24;
	s23 =	smul.u32 $0x2800, s23;
	[sflag:s20] =	ssyncadd.s32 $0xFFFFC000  }
0x83: {  	[spmem:s2] =	stream.indirect.scatter.add.f32 [tilespmem:s18], [sflag:$0x3], $0x80, s31, s17, $0xb8;
	[tilespmem:$0x1E800] =	vst v63  }
0x84: {  	_ =	swait.ge [sflag:s14], $0x4000  }
0x85: {  	s23 =	sadd.s32 s9, s23;
	[sflag:s14] =	ssyncset.done $0x0  }
0x86: {  	s22 =	sadd.s32 $0x1, s22;
	s23 =	sshll.u32 s23, $0x4;
	[sflag:s14] =	ssyncadd.s32 $0xFFFFC000  }
0x87: {  	p0 =	sne.s32 s22, $0x4;
	s23 =	sadd.s32 s7, s23;
	[bflag:$0x0] =	sbarrier.arrive $0xFFFF  }
0x88: {  	[hbm:s23], [sflag:s10] =	dma.local [spmem:s13], $0x2800  }
.Ltmp2:
0x89: {  	_ =	swait.ge [sflag:s14], $0x2800;
	(pc) =	sbr.rel @p0 .LBB2_2-.Ltmp2, $3  }
0x8a: {  	[sflag:s14] =	ssyncset.done $0x0  }
0x8b: {  	[sflag:s14] =	ssyncadd.s32 $0xFFFFD800  }
0x8c: {  	[bflag:$0x0] =	sbarrier.arrive $0xFFFF;
	_ =	sdelay $0x1  }
0x8d: {  	s21 =	sadd.s32 $0x1, s21  }
0x8e: {  	p0 =	sne.s32 s21, s12  }
.Ltmp3:
0x8f: {  	_ = 	snop;
	(pc) =	sbr.rel @p0 .LBB2_1-.Ltmp3, $1  }
0x90: {  	_ =	sdelay $0x3  }
0x91: {  	_ =	sfence.sel $0x180000  }
0x92: {  	[bflag:$0x0] =	sbarrier.arrive $0xFFFF  }
0x93: {  	p0 =	sne.s32 s3, $0x0;
	_ =	strace $0x9000004A  }
0x94: {  	s0 =	sadd.s32 @!p0 $0x100000, s0;
	[bflag:$0x2] =	sbarrier.arrive $0xFFFF  }
0x95: {  	[sflag:s0] =	ssyncadd.tile.s32 @!p0 $0x1;
	_ =	shalt  }
.Lfunc_end2:
_tile_overlayer_lowered:
.L_overlay_start_2:
0x96: {  	(tag) =	ssettag $0x2  }
0x97: {  	s0 =	rddreg [dreg:$0x0];
	s2 =	stileid.u32  }
0x98: {  	s1 =	rddreg [dreg:$0x1];
	p0 =	sne.s32 s2, $0x0  }
0x99: {  	s3 =	rddreg [dreg:$0x2];
	[bflag:$0x3] =	sbarrier.arrive $0xFFFF;
	s2 =	simm.s32 @!p0 $0x1C03  }
0x9a: {  	[timem:s3], [sflag:s2] =	dma.local @!p0 [hbm:s0], s1  }
0x9b: {  	s0 =	simm.s32 @!p0 $0x3  }
0x9c: {  	_ =	swait.ge @!p0 [sflag:s0], s1  }
0x9d: {  	s1 =	ssub.s32 @!p0 $0x0, s1;
	[sflag:s0] =	ssyncset.done @!p0 $0x0  }
0x9e: {  	[sflag:s0] =	ssyncadd.s32 @!p0 s1  }
0x9f: {  	[bflag:$0x3] =	sbarrier.arrive $0xFFFF  }
0xa0: {  	_ =	shalt  }

// kernel: kernel.15.cloned.1.call-start
scs
__scs_entry_jumppad:
0x0: {  	(pc) =	sbr.rel $0x88, $3  }
0x1: {  	(tag) =	ssettag $0x0;
	lr =	simm.s32 $0x1  }
0x2: {  	[smem:$0x3F9B] =	sst lr;
	_ =	strace $0xD0000000  }
0x3: {  	_ = 	snop  }
0x4: {  	_ = 	snop  }
0x5: {  	_ = 	snop  }
0x6: {  	_ = 	snop  }
0x7: {  	_ = 	snop  }
__scs_overlays_trampoline_lowered:
0x8: {  	[smem:$0x3FAA] =	sst s0  }
0x9: {  	[smem:$0x3FAB] =	sst s1  }
0xa: {  	[smem:$0x3FAC] =	sst s2  }
0xb: {  	[smem:$0x3FAD] =	sst s3  }
0xc: {  	[smem:$0x3FAE] =	sst s4  }
0xd: {  	[smem:$0x3FAF] =	sst s5  }
0xe: {  	[smem:$0x3FB0] =	sst s6  }
0xf: {  	[smem:$0x3FB1] =	sst s7  }
0x10: {  	[smem:$0x3FB2] =	sst s8  }
0x11: {  	[smem:$0x3FB3] =	sst s9;
	s0 =	simm.s32 @!p0 $0x0  }
0x12: {  	s1 =	sld [smem:$0x3F99];
	s0 =	simm.s32 @p0 $0x1  }
0x13: {  	[smem:$0x3FB4] =	sst s0;
	s0 =	simm.s32 @!p1 $0x0  }
0x14: {  	s2 =	sld [smem:$0x3F98];
	s0 =	simm.s32 @p1 $0x1  }
0x15: {  	[smem:$0x3FB5] =	sst s0;
	s0 =	simm.s32 @!p2 $0x0  }
0x16: {  	s3 =	sld [smem:$0x3FDB];
	s0 =	simm.s32 @p2 $0x1  }
0x17: {  	s4 =	simm.s32 $0x1BF5;
	[smem:$0x3FB7] =	sst s0  }
0x18: {  	s0 =	sld [smem:$0x3F9A];
	_ =	swait.ge [sflag:s4], $0x0  }
0x19: {  	s7 =	sld [smem:$0x3F9B]  }
0x1a: {  	s8 =	sadd.s32 $0xFFFFE003, lr  }
0x1b: {  	s9 =	sadd.s32 $0xFFFFFEF7, lr;
	s5 =	simm.s32 $0xFFFFFFFF;
	p2 =	slt.u32 s8, $0xFFFFF086  }
0x1c: {  	p1 =	slt.u32 s9, $0xF7A;
	s5 =	simm.s32 @!p2 $0x0  }
0x1d: {  	s5 =	simm.s32 @p1 $0x1;
	p0 =	seq.s32 s7, s2  }
0x1e: {  	s7 =	smul.u32 @!p0 $0xF7A, s2;
	p2 =	seq.s32 @!p0 s5, $0x0  }
0x1f: {  	s9 =	smul.u32 $0xF7A, s1;
	s8 =	simm.s32 @!p0 $0x1BF5;
	p2 =	por !p2, p0  }
0x20: {  	[sflag:s8] =	ssyncset.s32 @!p0 $0xFFFFF086;
	s6 =	sadd.s32 @!p0 s3, s7;
	s7 =	simm.s32 @!p0 $0x108  }
0x21: {  	s3 =	sadd.s32 s3, s9;
	s6 =	sadd.s32 @!p0 $0x88, s6;
	s7 =	simm.s32 @p2 $0x1082  }
0x22: {  	[simem:s7], [sflag:s8] =	dma.local @!p0 [hbm:s6], $0xF7A  }
0x23: {  	s9 =	sor.u32 $0xD0000000, s2;
	s6 =	simm.s32 $0x108;
	_ =	swait.ge @!p0 [sflag:s8], $0x0  }
0x24: {  	s3 =	sadd.s32 $0x88, s3;
	s6 =	simm.s32 @!p1 $0x1082;
	[sflag:s4] =	ssyncset.s32 $0xFFFFF086  }
0x25: {  	[simem:s6], [sflag:s4] =	dma.local [hbm:s3], $0xF7A  }
0x26: {  	[smem:$0x3F9B] =	sst s1;
	(tag) =	ssettag s2;
	_ =	strace s9  }
0x27: {  	s1 =	sld [smem:$0x3FAB]  }
0x28: {  	s2 =	sld [smem:$0x3FAC]  }
0x29: {  	s4 =	sld [smem:$0x3FAE]  }
0x2a: {  	p0 =	seq.s32 s5, $0x0;
	s5 =	sld [smem:$0x3FAF]  }
0x2b: {  	s6 =	sld [smem:$0x3FB0]  }
0x2c: {  	s7 =	sld [smem:$0x3FB1]  }
0x2d: {  	s3 =	simm.s32 $0x108;
	s8 =	sld [smem:$0x3FB2]  }
0x2e: {  	s3 =	simm.s32 @!p0 $0x1082;
	s9 =	sld [smem:$0x3FB3]  }
0x2f: {  	lr =	sadd.s32 s0, s3;
	s0 =	sld [smem:$0x3FAA]  }
0x30: {  	s3 =	sld [smem:$0x3FAD]  }
0x31: {  	[smem:$0x3FB6] =	sst s10  }
0x32: {  	s10 =	sld [smem:$0x3FB4];
	_ =	sdelay $0x3  }
0x33: {  	p0 =	seq.s32 s10, $0x1;
	s10 =	sld [smem:$0x3FB6];
	_ =	sdelay $0x3  }
0x34: {  	[smem:$0x3FB6] =	sst s10  }
0x35: {  	s10 =	sld [smem:$0x3FB5];
	_ =	sdelay $0x3  }
0x36: {  	p1 =	seq.s32 s10, $0x1;
	s10 =	sld [smem:$0x3FB6];
	_ =	sdelay $0x3  }
0x37: {  	[smem:$0x3FB6] =	sst s10  }
0x38: {  	s10 =	sld [smem:$0x3FB7]  }
0x39: {  	_ = 	snop;
	(pc) =	sbr.ind lr, $3  }
0x3a: {  	_ = 	snop  }
0x3b: {  	_ = 	snop  }
0x3c: {  	p2 =	seq.s32 s10, $0x1;
	s10 =	sld [smem:$0x3FB6]  }
0x3d: {  	_ =	shalt  }
0x3e: {  	_ =	shalt  }
0x3f: {  	_ =	shalt  }
0x40: {  	_ =	shalt  }
0x41: {  	_ =	shalt  }
0x42: {  	_ =	shalt  }
0x43: {  	_ =	shalt  }
0x44: {  	_ =	shalt  }
0x45: {  	_ =	shalt  }
0x46: {  	_ =	shalt  }
0x47: {  	_ =	shalt  }
0x48: {  	_ =	shalt  }
0x49: {  	_ =	shalt  }
0x4a: {  	_ =	shalt  }
0x4b: {  	_ =	shalt  }
0x4c: {  	_ =	shalt  }
0x4d: {  	_ =	shalt  }
0x4e: {  	_ =	shalt  }
0x4f: {  	_ =	shalt  }
0x50: {  	_ =	shalt  }
0x51: {  	_ =	shalt  }
0x52: {  	_ =	shalt  }
0x53: {  	_ =	shalt  }
0x54: {  	_ =	shalt  }
0x55: {  	_ =	shalt  }
0x56: {  	_ =	shalt  }
0x57: {  	_ =	shalt  }
0x58: {  	_ =	shalt  }
0x59: {  	_ =	shalt  }
0x5a: {  	_ =	shalt  }
0x5b: {  	_ =	shalt  }
0x5c: {  	_ =	shalt  }
0x5d: {  	_ =	shalt  }
0x5e: {  	_ =	shalt  }
0x5f: {  	_ =	shalt  }
0x60: {  	_ =	shalt  }
0x61: {  	_ =	shalt  }
0x62: {  	_ =	shalt  }
0x63: {  	_ =	shalt  }
0x64: {  	_ =	shalt  }
0x65: {  	_ =	shalt  }
0x66: {  	_ =	shalt  }
0x67: {  	_ =	shalt  }
0x68: {  	_ =	shalt  }
0x69: {  	_ =	shalt  }
0x6a: {  	_ =	shalt  }
0x6b: {  	_ =	shalt  }
0x6c: {  	_ =	shalt  }
0x6d: {  	_ =	shalt  }
0x6e: {  	_ =	shalt  }
0x6f: {  	_ =	shalt  }
0x70: {  	_ =	shalt  }
0x71: {  	_ =	shalt  }
0x72: {  	_ =	shalt  }
0x73: {  	_ =	shalt  }
0x74: {  	_ =	shalt  }
0x75: {  	_ =	shalt  }
0x76: {  	_ =	shalt  }
0x77: {  	_ =	shalt  }
0x78: {  	_ =	shalt  }
0x79: {  	_ =	shalt  }
0x7a: {  	_ =	shalt  }
0x7b: {  	_ =	shalt  }
0x7c: {  	_ =	shalt  }
0x7d: {  	_ =	shalt  }
0x7e: {  	_ =	shalt  }
0x7f: {  	_ =	shalt  }
0x80: {  	_ =	shalt  }
0x81: {  	_ =	shalt  }
0x82: {  	_ =	shalt  }
0x83: {  	_ =	shalt  }
0x84: {  	_ =	shalt  }
0x85: {  	_ =	shalt  }
0x86: {  	_ =	shalt  }
0x87: {  	_ =	shalt  }
.Lfunc_end0:
.L_simem_size_0:
called_computation.2_lowered:
.L_overlay_start_0:
0x88: {  	s2 =	sld [smem:$0x3FD9]  }
0x89: {  	s3 =	sld [smem:$0x3FFE];
	_ =	sdelay $0x1  }
0x8a: {  	s1 =	srdreg.scid  }
0x8b: {  	s0 =	sand.u32 $0x1, s1  }
0x8c: {  	s16 =	sshll.u32 s0, $0xA;
	s2 =	sadd.s32 s3, s2  }
0x8d: {  	s2 =	sadd.s32 s2, s16  }
0x8e: {  	[smem:$0x3FC2] =	sst s2  }
0x8f: {  	_ = 	snop  }
0x90: {  	(tm) =	ssettm $0x1  }
0x91: {  	s17 =	sld [smem:$0x3FFB];
	_ =	sdelay $0x3  }
0x92: {  	_ =	strace s17  }
0x93: {  	s2 =	sld [smem:$0x3FFC];
	_ =	sdelay $0x3  }
0x94: {  	_ =	strace s2  }
0x95: {  	s2 =	sld [smem:$0x3FFD];
	_ =	sdelay $0x3  }
0x96: {  	_ =	strace s2  }
0x97: {  	_ =	strace $0x8FFFFFFF  }
0x98: {  	s18 =	sld [smem:$0x3FDB];
	_ =	sdelay $0x1  }
0x99: {  	s19 =	simm.s32 $_scs_section_size  }
0x9a: {  	s4 =	simm.s32 $_size__tile_overlayer_lowered;
	s5 =	simm.s32 $_tile_overlayer_lowered  }
0x9b: {  	s22 =	simm.s32 $0x1BFF;
	s21 =	sshll.u32 s5, $0x1;
	s2 =	sadd.s32 s19, s18  }
0x9c: {  	s6 =	simm.s32 $0x0;
	s20 =	sshll.u32 s4, $0x1;
	s4 =	sadd.s32 s21, s2  }
0x9d: {  	[timem:s6], [sflag:s22] =	dma.local [hbm:s4], s20  }
0x9e: {  	_ =	swait.ge [sflag:s22], s20  }
0x9f: {  	s3 =	ssub.s32 $0x0, s20;
	[sflag:s22] =	ssyncset.done $0x0  }
0xa0: {  	[sflag:s22] =	ssyncadd.s32 s3;
	_ =	sdelay $0x1  }
0xa1: {  	s23 =	simm.s32 $0x1B8B  }
0xa2: {  	_ =	swait.ge [sflag:s23], $0x1  }
0xa3: {  	[sflag:s23] =	ssyncset.done $0x0  }
0xa4: {  	s25 =	simm.s32 $0x1B8E;
	s24 =	sld [smem:$0x3FFE];
	[sflag:s23] =	ssyncadd.s32 $0xFFFFFFFF  }
0xa5: {  	s26 =	simm.s32 $execute0_lowered;
	[smem:$0x3FD2] =	sst s25  }
0xa6: {  	s4 =	sshll.u32 s26, $0x1;
	_ =	strace $0x8000004C;
	[dreg:$0x1] =	wrdreg $0xFFFFFFFF  }
0xa7: {  	s28 =	simm.s32 $_size_execute0_lowered;
	s2 =	sadd.s32 s2, s4;
	[dreg:$0x0] =	wrdreg $0x0  }
0xa8: {  	s4 =	sshll.u32 s28, $0x1;
	[dreg:$0x2] =	wrdreg s2  }
0xa9: {  	[dreg:$0x3] =	wrdreg s4  }
0xaa: {  	[dreg:$0x4] =	wrdreg $0xC0  }
0xab: {  	_ =	task [dreg:s6], $0x5FFFF  }
0xac: {  	[dreg:$0x1] =	wrdreg $0xFFFFFFFF  }
0xad: {  	[dreg:$0x0] =	wrdreg $0x60  }
0xae: {  	[dreg:$0x2] =	wrdreg s24  }
0xaf: {  	[dreg:$0x3] =	wrdreg $0xA8000  }
0xb0: {  	[dreg:$0x4] =	wrdreg $0x9  }
0xb1: {  	_ =	task.clear_ibuf [dreg:s6], $0x5FFFF;
	_ =	strace $0x9000004C  }
0xb2: {  	s29 =	simm.s32 $0x9;
	_ =	strace $0x8000004E  }
0xb3: {  	_ =	swait.ge [sflag:s29], $0x1  }
0xb4: {  	[sflag:s29] =	ssyncadd.s32 $0xFFFFFFFF  }
0xb5: {  	_ =	strace $0x9000004E  }
0xb6: {  	_ =	sfence  }
0xb7: {  	s30 =	sld [smem:$0x0];
	_ =	sdelay $0x2  }
0xb8: {  	s31 =	sshll.u32 s1, $0xD;
	s1 =	sshrl.u32 s1, $0x2  }
0xb9: {  	s3 =	sand.u32 $0x4000, s31;
	s1 =	sadd.s32 s1, s30  }
0xba: {  	s0 =	sor.u32 s3, s0;
	s1 =	sshll.u32 s1, $0x11  }
0xbb: {  	s0 =	sor.u32 s1, s0  }
0xbc: {  	s0 =	sadd.s32 $0x8F2B, s0  }
0xbd: {  	[sflag:s0] =	ssyncadd.remote.s32 $0x1  }
0xbe: {  	_ =	sfence.sel $0xFFFF  }
0xbf: {  	[dreg:$0x0] =	wrdreg $0xFFFFFFFF;
	(pc) =	sbr.abs _section_cstart, $3  }
0xc0: {  	[dreg:$0x1] =	wrdreg $0xFFFFFFFF  }
0xc1: {  	_ =	task.clear_ibuf [dreg:s6], $0x2FFFF;
	_ =	strace $0x9FFFFFFF  }
0xc2: {  	(tm) =	ssettm $0x7FFFFFFF  }
0xc3: {  	_ =	shalt  }
tec
execute0_lowered:
.L_overlay_start_1:
0x0: {  	(tag) =	ssettag $0x1  }
0x1: {  	s7 =	rddreg [dreg:$0x0]  }
0x2: {  	s1 =	rddreg [dreg:$0x1]  }
0x3: {  	s0 =	rddreg [dreg:$0x2];
	s2 =	simm.s32 $0x0  }
0x4: {  	s5 =	srdreg.scid;
	s3 =	stileid.u32;
	s14 =	simm.s32 $0x3  }
0x5: {  	s15 =	simm.s32 $0x1400;
	s16 =	simm.s32 $0x2800;
	s17 =	simm.s32 $0x80  }
0x6: {  	s18 =	simm.s32 $0x6800;
	s19 =	simm.s32 $0x1;
	s20 =	simm.s32 $0x2  }
0x7: {  	s21 =	simm.s32 $0x0;
	[smem:$0x7FF] =	sst s2;
	s4 =	sadd.s32 $0x8E00, s7  }
0x8: {  	s8 =	sand.u32 $0x1, s5;
	s5 =	sadd.s32 $0x148E00, s7;
	s10 =	smul.u32 $0x50000, s3  }
0x9: {  	s6 =	sadd.s32 $0x6600, s7;
	s7 =	sadd.s32 $0xA8E00, s7;
	s9 =	ssub.s32 $0x2, s8  }
0xa: {  	s31 =	sshll.u32 s3, $0x6;
	_ =	strace $0x8000004D;
	s11 =	sshrl.u32 s9, $0x1  }
0xb: {  	s8 =	sshll.u32 s8, $0x1;
	s10 =	sshrl.u32 s10, $0x2;
	s12 =	ssub.s32 s9, s11  }
0xc: {  	s9 =	smul.u32 $0x280, s3;
	s13 =	sadd.s32 s10, s1;
	s10 =	sor.u32 $0x1C03, s31  }
0xd: {  	s11 =	smul.u32 $0x5000, s3;
	s12 =	smax.u32 s12, $0x1;
	s13 =	sshrl.u32 s13, $0x3  }
.LBB2_1:
0xe: {  	p1 =	por $0x1, $0x1;
	s22 =	simm.s32 $0x0  }
.LBB2_2:
0xf: {  	s22 =	sor.u32 s8, s22  }
0x10: {  	[spmem:s13], [sflag:s10] =	dma.local [hbm:s6], $0x2800  }
0x11: {  	s23 =	smul.u32 $0x50000, s22  }
0x12: {  	_ =	swait.ge [sflag:s14], $0x2800  }
0x13: {  	[sflag:s14] =	ssyncset.done $0x0;
	s23 =	sadd.s32 s11, s23  }
0x14: {  	[sflag:s14] =	ssyncadd.s32 $0xFFFFD800;
	s23 =	sshrl.u32 s23, $0x3  }
0x15: {  	[bflag:$0x0] =	sbarrier.arrive $0xFFFF;
	s23 =	sadd.s32 s5, s23  }
0x16: {  	[tilespmem:s2], [sflag:$0x3] =	stream.strided.gather [hbm4b:s23+s15], $0x2800, s16, s15, $0x38;
	[tilespmem:$0x1E800] =	vst v63  }
0x17: {  	_ =	swait.ge [sflag:s14], $0x2800  }
0x18: {  	[sflag:s14] =	ssyncset.done $0x0  }
0x19: {  	s24 =	simm.s32 $0x0;
	[sflag:s14] =	ssyncadd.s32 $0xFFFFD800  }
0x1a: {  	[tilespmem:s16], [sflag:$0x1] =	stream.indirect.gather [hbm4b:s4+s17], $0x80, s24, s17, $0xb8;
	[tilespmem:$0x1E800] =	vst v63  }
0x1b: {  	s29 =	simm.s32 $0x80  }
0x1c: {  	[tilespmem:s18], [sflag:$0x2] =	stream.indirect.gather [hbm4b:s4+s17], $0x80, s29, s17, $0xb8;
	[tilespmem:$0x1E800] =	vst v63  }
0x1d: {  	_ =	swait.ge [sflag:s19], $0x4000  }
0x1e: {  	[sflag:s19] =	ssyncset.done $0x0  }
0x1f: {  	s30 =	simm.s32 $0x1400;
	[sflag:s19] =	ssyncadd.s32 $0xFFFFC000  }
0x20: {  	[spmem:s1] =	stream.indirect.scatter.add.f32 [tilespmem:s16], [sflag:$0x3], $0x80, s30, s17, $0xb8;
	[tilespmem:$0x1E800] =	vst v63  }
0x21: {  	_ =	swait.ge [sflag:s14], $0x4000  }
0x22: {  	[sflag:s14] =	ssyncset.done $0x0  }
0x23: {  	[sflag:s14] =	ssyncadd.s32 $0xFFFFC000  }
0x24: {  	_ =	swait.ge [sflag:s20], $0x4000  }
0x25: {  	[sflag:s20] =	ssyncset.done $0x0  }
0x26: {  	s31 =	simm.s32 $0x1480;
	[sflag:s20] =	ssyncadd.s32 $0xFFFFC000  }
0x27: {  	[spmem:s1] =	stream.indirect.scatter.add.f32 [tilespmem:s18], [sflag:$0x3], $0x80, s31, s17, $0xb8;
	[tilespmem:$0x1E800] =	vst v63  }
0x28: {  	p0 =	por p1, p1;
	_ =	swait.ge [sflag:s14], $0x4000  }
0x29: {  	s25 =	simm.s32 $0xA00;
	s24 =	simm.s32 $0x180;
	[sflag:s14] =	ssyncset.done $0x0  }
.LBB2_3:
0x2a: {  	s26 =	sadd.s32 $0xFFFFFF80, s24  }
0x2b: {  	[sflag:s14] =	ssyncadd.s32 $0xFFFFC000;
	s28 =	smov.u32 s25;
	s29 =	sadd.s32 $0x400, s25  }
0x2c: {  	[tilespmem:s16], [sflag:$0x1] =	stream.indirect.gather [hbm4b:s4+s17], $0x80, s26, s17, $0xb8;
	[tilespmem:$0x1E800] =	vst v63  }
0x2d: {  	p1 =	sne.s32 s25, $0x4E00  }
0x2e: {  	[tilespmem:s18], [sflag:$0x2] =	stream.indirect.gather [hbm4b:s4+s17], $0x80, s24, s17, $0xb8;
	[tilespmem:$0x1E800] =	vst v63  }
0x2f: {  	_ =	swait.ge [sflag:s19], $0x4000  }
0x30: {  	[sflag:s19] =	ssyncset.done $0x0  }
0x31: {  	s25 =	sadd.s32 $0x1380, s24;
	[sflag:s19] =	ssyncadd.s32 $0xFFFFC000  }
0x32: {  	[spmem:s1] =	stream.indirect.scatter.add.f32 [tilespmem:s16], [sflag:$0x3], $0x80, s25, s17, $0xb8;
	[tilespmem:$0x1E800] =	vst v63  }
0x33: {  	_ =	swait.ge [sflag:s14], $0x4000  }
0x34: {  	[sflag:s14] =	ssyncset.done $0x0  }
0x35: {  	[sflag:s14] =	ssyncadd.s32 $0xFFFFC000  }
0x36: {  	_ =	swait.ge [sflag:s20], $0x4000  }
.Ltmp0:
0x37: {  	[sflag:s20] =	ssyncset.done $0x0;
	(pc) =	sbr.rel @p1 .LBB2_3-.Ltmp0, $4  }
0x38: {  	s24 =	sadd.s32 $0x1400, s24;
	[sflag:s20] =	ssyncadd.s32 $0xFFFFC000  }
0x39: {  	[spmem:s1] =	stream.indirect.scatter.add.f32 [tilespmem:s18], [sflag:$0x3], $0x80, s24, s17, $0xb8;
	[tilespmem:$0x1E800] =	vst v63  }
0x3a: {  	_ =	swait.ge [sflag:s14], $0x4000  }
0x3b: {  	s25 =	smov.u32 s29;
	s24 =	sshra.s32 s28, $0x2;
	[sflag:s14] =	ssyncset.done $0x0  }
0x3c: {  	s25 =	sadd.s32 $0xFFFFFF80, s24;
	[sflag:s14] =	ssyncadd.s32 $0xFFFFC000  }
0x3d: {  	[tilespmem:s16], [sflag:$0x1] =	stream.indirect.gather [hbm4b:s4+s17], $0x80, s25, s17, $0xb8;
	[tilespmem:$0x1E800] =	vst v63  }
0x3e: {  	_ = 	snop  }
0x3f: {  	[tilespmem:s18], [sflag:$0x2] =	stream.indirect.gather [hbm4b:s4+s17], $0x80, s24, s17, $0xb8;
	[tilespmem:$0x1E800] =	vst v63  }
0x40: {  	_ =	swait.ge [sflag:s19], $0x4000  }
0x41: {  	[sflag:s19] =	ssyncset.done $0x0  }
0x42: {  	s31 =	sadd.s32 $0x1380, s24;
	[sflag:s19] =	ssyncadd.s32 $0xFFFFC000  }
0x43: {  	[spmem:s1] =	stream.indirect.scatter.add.f32 [tilespmem:s16], [sflag:$0x3], $0x80, s31, s17, $0xb8;
	[tilespmem:$0x1E800] =	vst v63  }
0x44: {  	_ =	swait.ge [sflag:s14], $0x4000  }
0x45: {  	[sflag:s14] =	ssyncset.done $0x0  }
0x46: {  	[sflag:s14] =	ssyncadd.s32 $0xFFFFC000  }
0x47: {  	_ =	swait.ge [sflag:s20], $0x4000  }
0x48: {  	[sflag:s20] =	ssyncset.done $0x0  }
0x49: {  	s26 =	sadd.s32 $0x1400, s24;
	[sflag:s20] =	ssyncadd.s32 $0xFFFFC000  }
0x4a: {  	[spmem:s1] =	stream.indirect.scatter.add.f32 [tilespmem:s18], [sflag:$0x3], $0x80, s26, s17, $0xb8;
	[tilespmem:$0x1E800] =	vst v63  }
0x4b: {  	_ =	swait.ge [sflag:s14], $0x4000  }
0x4c: {  	[sflag:s14] =	ssyncset.done $0x0  }
0x4d: {  	s23 =	sadd.s32 $0x280, s23;
	[sflag:s14] =	ssyncadd.s32 $0xFFFFC000  }
0x4e: {  	[tilespmem:s2], [sflag:$0x3] =	stream.strided.gather [hbm4b:s23+s15], $0x2800, s16, s15, $0x38;
	[tilespmem:$0x1E800] =	vst v63  }
0x4f: {  	_ =	swait.ge [sflag:s14], $0x2800  }
0x50: {  	[sflag:s14] =	ssyncset.done $0x0  }
0x51: {  	s28 =	simm.s32 $0x0;
	[sflag:s14] =	ssyncadd.s32 $0xFFFFD800  }
0x52: {  	[tilespmem:s16], [sflag:$0x1] =	stream.indirect.gather [hbm4b:s4+s17], $0x80, s28, s17, $0xb8;
	[tilespmem:$0x1E800] =	vst v63  }
0x53: {  	s29 =	simm.s32 $0x80  }
0x54: {  	[tilespmem:s18], [sflag:$0x2] =	stream.indirect.gather [hbm4b:s4+s17], $0x80, s29, s17, $0xb8;
	[tilespmem:$0x1E800] =	vst v63  }
0x55: {  	_ =	swait.ge [sflag:s19], $0x4000  }
0x56: {  	[sflag:s19] =	ssyncset.done $0x0  }
0x57: {  	s30 =	simm.s32 $0x1400;
	[sflag:s19] =	ssyncadd.s32 $0xFFFFC000  }
0x58: {  	[spmem:s1] =	stream.indirect.scatter.add.f32 [tilespmem:s16], [sflag:$0x3], $0x80, s30, s17, $0xb8;
	[tilespmem:$0x1E800] =	vst v63  }
0x59: {  	_ =	swait.ge [sflag:s14], $0x4000  }
0x5a: {  	[sflag:s14] =	ssyncset.done $0x0  }
0x5b: {  	[sflag:s14] =	ssyncadd.s32 $0xFFFFC000  }
0x5c: {  	_ =	swait.ge [sflag:s20], $0x4000  }
0x5d: {  	[sflag:s20] =	ssyncset.done $0x0  }
0x5e: {  	s31 =	simm.s32 $0x1480;
	[sflag:s20] =	ssyncadd.s32 $0xFFFFC000  }
0x5f: {  	[spmem:s1] =	stream.indirect.scatter.add.f32 [tilespmem:s18], [sflag:$0x3], $0x80, s31, s17, $0xb8;
	[tilespmem:$0x1E800] =	vst v63  }
0x60: {  	_ =	swait.ge [sflag:s14], $0x4000  }
0x61: {  	s24 =	simm.s32 $0xA00;
	s23 =	simm.s32 $0x180;
	[sflag:s14] =	ssyncset.done $0x0  }
.LBB2_5:
0x62: {  	s25 =	sadd.s32 $0xFFFFFF80, s23  }
0x63: {  	[sflag:s14] =	ssyncadd.s32 $0xFFFFC000;
	s26 =	smov.u32 s24;
	s28 =	sadd.s32 $0x400, s24  }
0x64: {  	[tilespmem:s16], [sflag:$0x1] =	stream.indirect.gather [hbm4b:s4+s17], $0x80, s25, s17, $0xb8;
	[tilespmem:$0x1E800] =	vst v63  }
0x65: {  	p1 =	sne.s32 s24, $0x4E00  }
0x66: {  	[tilespmem:s18], [sflag:$0x2] =	stream.indirect.gather [hbm4b:s4+s17], $0x80, s23, s17, $0xb8;
	[tilespmem:$0x1E800] =	vst v63  }
0x67: {  	_ =	swait.ge [sflag:s19], $0x4000  }
0x68: {  	[sflag:s19] =	ssyncset.done $0x0  }
0x69: {  	s24 =	sadd.s32 $0x1380, s23;
	[sflag:s19] =	ssyncadd.s32 $0xFFFFC000  }
0x6a: {  	[spmem:s1] =	stream.indirect.scatter.add.f32 [tilespmem:s16], [sflag:$0x3], $0x80, s24, s17, $0xb8;
	[tilespmem:$0x1E800] =	vst v63  }
0x6b: {  	_ =	swait.ge [sflag:s14], $0x4000  }
0x6c: {  	[sflag:s14] =	ssyncset.done $0x0  }
0x6d: {  	[sflag:s14] =	ssyncadd.s32 $0xFFFFC000  }
0x6e: {  	_ =	swait.ge [sflag:s20], $0x4000  }
.Ltmp1:
0x6f: {  	[sflag:s20] =	ssyncset.done $0x0;
	(pc) =	sbr.rel @p1 .LBB2_5-.Ltmp1, $4  }
0x70: {  	s23 =	sadd.s32 $0x1400, s23;
	[sflag:s20] =	ssyncadd.s32 $0xFFFFC000  }
0x71: {  	[spmem:s1] =	stream.indirect.scatter.add.f32 [tilespmem:s18], [sflag:$0x3], $0x80, s23, s17, $0xb8;
	[tilespmem:$0x1E800] =	vst v63  }
0x72: {  	_ =	swait.ge [sflag:s14], $0x4000  }
0x73: {  	s24 =	smov.u32 s28;
	s23 =	sshra.s32 s26, $0x2;
	[sflag:s14] =	ssyncset.done $0x0  }
0x74: {  	s24 =	sadd.s32 $0xFFFFFF80, s23;
	[sflag:s14] =	ssyncadd.s32 $0xFFFFC000  }
0x75: {  	[tilespmem:s16], [sflag:$0x1] =	stream.indirect.gather [hbm4b:s4+s17], $0x80, s24, s17, $0xb8;
	[tilespmem:$0x1E800] =	vst v63  }
0x76: {  	_ = 	snop  }
0x77: {  	[tilespmem:s18], [sflag:$0x2] =	stream.indirect.gather [hbm4b:s4+s17], $0x80, s23, s17, $0xb8;
	[tilespmem:$0x1E800] =	vst v63  }
0x78: {  	_ =	swait.ge [sflag:s19], $0x4000  }
0x79: {  	[sflag:s19] =	ssyncset.done $0x0  }
0x7a: {  	s30 =	sadd.s32 $0x1380, s23;
	[sflag:s19] =	ssyncadd.s32 $0xFFFFC000  }
0x7b: {  	[spmem:s1] =	stream.indirect.scatter.add.f32 [tilespmem:s16], [sflag:$0x3], $0x80, s30, s17, $0xb8;
	[tilespmem:$0x1E800] =	vst v63  }
0x7c: {  	_ =	swait.ge [sflag:s14], $0x4000  }
0x7d: {  	[sflag:s14] =	ssyncset.done $0x0  }
0x7e: {  	[sflag:s14] =	ssyncadd.s32 $0xFFFFC000  }
0x7f: {  	_ =	swait.ge [sflag:s20], $0x4000  }
0x80: {  	[sflag:s20] =	ssyncset.done $0x0  }
0x81: {  	s31 =	sadd.s32 $0x1400, s23;
	s22 =	smul.u32 $0x2800, s22;
	[sflag:s20] =	ssyncadd.s32 $0xFFFFC000  }
0x82: {  	[spmem:s1] =	stream.indirect.scatter.add.f32 [tilespmem:s18], [sflag:$0x3], $0x80, s31, s17, $0xb8;
	[tilespmem:$0x1E800] =	vst v63  }
0x83: {  	_ =	swait.ge [sflag:s14], $0x4000  }
0x84: {  	s22 =	sadd.s32 s9, s22;
	[sflag:s14] =	ssyncset.done $0x0  }
0x85: {  	s22 =	sshll.u32 s22, $0x4;
	[sflag:s14] =	ssyncadd.s32 $0xFFFFC000  }
0x86: {  	s22 =	sadd.s32 s7, s22;
	[bflag:$0x0] =	sbarrier.arrive $0xFFFF  }
0x87: {  	[hbm:s22], [sflag:s10] =	dma.local [spmem:s13], $0x2800  }
.Ltmp2:
0x88: {  	_ =	swait.ge [sflag:s14], $0x2800;
	(pc) =	sbr.rel @p0 .LBB2_2-.Ltmp2, $4  }
0x89: {  	[sflag:s14] =	ssyncset.done $0x0  }
0x8a: {  	[sflag:s14] =	ssyncadd.s32 $0xFFFFD800  }
0x8b: {  	[bflag:$0x0] =	sbarrier.arrive $0xFFFF  }
0x8c: {  	p1 =	por $0x0, $0x0;
	s22 =	simm.s32 $0x1  }
0x8d: {  	s21 =	sadd.s32 $0x1, s21  }
0x8e: {  	p0 =	sne.s32 s21, s12  }
.Ltmp3:
0x8f: {  	_ = 	snop;
	(pc) =	sbr.rel @p0 .LBB2_1-.Ltmp3, $1  }
0x90: {  	_ =	sdelay $0x3  }
0x91: {  	_ =	sfence.sel $0x180000  }
0x92: {  	[bflag:$0x0] =	sbarrier.arrive $0xFFFF  }
0x93: {  	p0 =	sne.s32 s3, $0x0;
	_ =	strace $0x9000004D  }
0x94: {  	s0 =	sadd.s32 @!p0 $0x100000, s0;
	[bflag:$0x2] =	sbarrier.arrive $0xFFFF  }
0x95: {  	[sflag:s0] =	ssyncadd.tile.s32 @!p0 $0x1;
	_ =	shalt  }
.Lfunc_end2:
_tile_overlayer_lowered:
.L_overlay_start_2:
0x96: {  	(tag) =	ssettag $0x2  }
0x97: {  	s0 =	rddreg [dreg:$0x0];
	s2 =	stileid.u32  }
0x98: {  	s1 =	rddreg [dreg:$0x1];
	p0 =	sne.s32 s2, $0x0  }
0x99: {  	s3 =	rddreg [dreg:$0x2];
	[bflag:$0x3] =	sbarrier.arrive $0xFFFF;
	s2 =	simm.s32 @!p0 $0x1C03  }
0x9a: {  	[timem:s3], [sflag:s2] =	dma.local @!p0 [hbm:s0], s1  }
0x9b: {  	s0 =	simm.s32 @!p0 $0x3  }
0x9c: {  	_ =	swait.ge @!p0 [sflag:s0], s1  }
0x9d: {  	s1 =	ssub.s32 @!p0 $0x0, s1;
	[sflag:s0] =	ssyncset.done @!p0 $0x0  }
0x9e: {  	[sflag:s0] =	ssyncadd.s32 @!p0 s1  }
0x9f: {  	[bflag:$0x3] =	sbarrier.arrive $0xFFFF  }
0xa0: {  	_ =	shalt  }

// kernel: kernel.9.cloned.1.call-start
scs
__scs_entry_jumppad:
0x0: {  	(pc) =	sbr.rel $0x88, $3  }
0x1: {  	(tag) =	ssettag $0x0;
	lr =	simm.s32 $0x1  }
0x2: {  	[smem:$0x3F9B] =	sst lr;
	_ =	strace $0xD0000000  }
0x3: {  	_ = 	snop  }
0x4: {  	_ = 	snop  }
0x5: {  	_ = 	snop  }
0x6: {  	_ = 	snop  }
0x7: {  	_ = 	snop  }
__scs_overlays_trampoline_lowered:
0x8: {  	[smem:$0x3FAA] =	sst s0  }
0x9: {  	[smem:$0x3FAB] =	sst s1  }
0xa: {  	[smem:$0x3FAC] =	sst s2  }
0xb: {  	[smem:$0x3FAD] =	sst s3  }
0xc: {  	[smem:$0x3FAE] =	sst s4  }
0xd: {  	[smem:$0x3FAF] =	sst s5  }
0xe: {  	[smem:$0x3FB0] =	sst s6  }
0xf: {  	[smem:$0x3FB1] =	sst s7  }
0x10: {  	[smem:$0x3FB2] =	sst s8  }
0x11: {  	[smem:$0x3FB3] =	sst s9;
	s0 =	simm.s32 @!p0 $0x0  }
0x12: {  	s1 =	sld [smem:$0x3F99];
	s0 =	simm.s32 @p0 $0x1  }
0x13: {  	[smem:$0x3FB4] =	sst s0;
	s0 =	simm.s32 @!p1 $0x0  }
0x14: {  	s2 =	sld [smem:$0x3F98];
	s0 =	simm.s32 @p1 $0x1  }
0x15: {  	[smem:$0x3FB5] =	sst s0;
	s0 =	simm.s32 @!p2 $0x0  }
0x16: {  	s3 =	sld [smem:$0x3FDB];
	s0 =	simm.s32 @p2 $0x1  }
0x17: {  	s4 =	simm.s32 $0x1BF5;
	[smem:$0x3FB7] =	sst s0  }
0x18: {  	s0 =	sld [smem:$0x3F9A];
	_ =	swait.ge [sflag:s4], $0x0  }
0x19: {  	s7 =	sld [smem:$0x3F9B]  }
0x1a: {  	s8 =	sadd.s32 $0xFFFFE003, lr  }
0x1b: {  	s9 =	sadd.s32 $0xFFFFFEF7, lr;
	s5 =	simm.s32 $0xFFFFFFFF;
	p2 =	slt.u32 s8, $0xFFFFF086  }
0x1c: {  	p1 =	slt.u32 s9, $0xF7A;
	s5 =	simm.s32 @!p2 $0x0  }
0x1d: {  	s5 =	simm.s32 @p1 $0x1;
	p0 =	seq.s32 s7, s2  }
0x1e: {  	s7 =	smul.u32 @!p0 $0xF7A, s2;
	p2 =	seq.s32 @!p0 s5, $0x0  }
0x1f: {  	s9 =	smul.u32 $0xF7A, s1;
	s8 =	simm.s32 @!p0 $0x1BF5;
	p2 =	por !p2, p0  }
0x20: {  	[sflag:s8] =	ssyncset.s32 @!p0 $0xFFFFF086;
	s6 =	sadd.s32 @!p0 s3, s7;
	s7 =	simm.s32 @!p0 $0x108  }
0x21: {  	s3 =	sadd.s32 s3, s9;
	s6 =	sadd.s32 @!p0 $0x88, s6;
	s7 =	simm.s32 @p2 $0x1082  }
0x22: {  	[simem:s7], [sflag:s8] =	dma.local @!p0 [hbm:s6], $0xF7A  }
0x23: {  	s9 =	sor.u32 $0xD0000000, s2;
	s6 =	simm.s32 $0x108;
	_ =	swait.ge @!p0 [sflag:s8], $0x0  }
0x24: {  	s3 =	sadd.s32 $0x88, s3;
	s6 =	simm.s32 @!p1 $0x1082;
	[sflag:s4] =	ssyncset.s32 $0xFFFFF086  }
0x25: {  	[simem:s6], [sflag:s4] =	dma.local [hbm:s3], $0xF7A  }
0x26: {  	[smem:$0x3F9B] =	sst s1;
	(tag) =	ssettag s2;
	_ =	strace s9  }
0x27: {  	s1 =	sld [smem:$0x3FAB]  }
0x28: {  	s2 =	sld [smem:$0x3FAC]  }
0x29: {  	s4 =	sld [smem:$0x3FAE]  }
0x2a: {  	p0 =	seq.s32 s5, $0x0;
	s5 =	sld [smem:$0x3FAF]  }
0x2b: {  	s6 =	sld [smem:$0x3FB0]  }
0x2c: {  	s7 =	sld [smem:$0x3FB1]  }
0x2d: {  	s3 =	simm.s32 $0x108;
	s8 =	sld [smem:$0x3FB2]  }
0x2e: {  	s3 =	simm.s32 @!p0 $0x1082;
	s9 =	sld [smem:$0x3FB3]  }
0x2f: {  	lr =	sadd.s32 s0, s3;
	s0 =	sld [smem:$0x3FAA]  }
0x30: {  	s3 =	sld [smem:$0x3FAD]  }
0x31: {  	[smem:$0x3FB6] =	sst s10  }
0x32: {  	s10 =	sld [smem:$0x3FB4];
	_ =	sdelay $0x3  }
0x33: {  	p0 =	seq.s32 s10, $0x1;
	s10 =	sld [smem:$0x3FB6];
	_ =	sdelay $0x3  }
0x34: {  	[smem:$0x3FB6] =	sst s10  }
0x35: {  	s10 =	sld [smem:$0x3FB5];
	_ =	sdelay $0x3  }
0x36: {  	p1 =	seq.s32 s10, $0x1;
	s10 =	sld [smem:$0x3FB6];
	_ =	sdelay $0x3  }
0x37: {  	[smem:$0x3FB6] =	sst s10  }
0x38: {  	s10 =	sld [smem:$0x3FB7]  }
0x39: {  	_ = 	snop;
	(pc) =	sbr.ind lr, $3  }
0x3a: {  	_ = 	snop  }
0x3b: {  	_ = 	snop  }
0x3c: {  	p2 =	seq.s32 s10, $0x1;
	s10 =	sld [smem:$0x3FB6]  }
0x3d: {  	_ =	shalt  }
0x3e: {  	_ =	shalt  }
0x3f: {  	_ =	shalt  }
0x40: {  	_ =	shalt  }
0x41: {  	_ =	shalt  }
0x42: {  	_ =	shalt  }
0x43: {  	_ =	shalt  }
0x44: {  	_ =	shalt  }
0x45: {  	_ =	shalt  }
0x46: {  	_ =	shalt  }
0x47: {  	_ =	shalt  }
0x48: {  	_ =	shalt  }
0x49: {  	_ =	shalt  }
0x4a: {  	_ =	shalt  }
0x4b: {  	_ =	shalt  }
0x4c: {  	_ =	shalt  }
0x4d: {  	_ =	shalt  }
0x4e: {  	_ =	shalt  }
0x4f: {  	_ =	shalt  }
0x50: {  	_ =	shalt  }
0x51: {  	_ =	shalt  }
0x52: {  	_ =	shalt  }
0x53: {  	_ =	shalt  }
0x54: {  	_ =	shalt  }
0x55: {  	_ =	shalt  }
0x56: {  	_ =	shalt  }
0x57: {  	_ =	shalt  }
0x58: {  	_ =	shalt  }
0x59: {  	_ =	shalt  }
0x5a: {  	_ =	shalt  }
0x5b: {  	_ =	shalt  }
0x5c: {  	_ =	shalt  }
0x5d: {  	_ =	shalt  }
0x5e: {  	_ =	shalt  }
0x5f: {  	_ =	shalt  }
0x60: {  	_ =	shalt  }
0x61: {  	_ =	shalt  }
0x62: {  	_ =	shalt  }
0x63: {  	_ =	shalt  }
0x64: {  	_ =	shalt  }
0x65: {  	_ =	shalt  }
0x66: {  	_ =	shalt  }
0x67: {  	_ =	shalt  }
0x68: {  	_ =	shalt  }
0x69: {  	_ =	shalt  }
0x6a: {  	_ =	shalt  }
0x6b: {  	_ =	shalt  }
0x6c: {  	_ =	shalt  }
0x6d: {  	_ =	shalt  }
0x6e: {  	_ =	shalt  }
0x6f: {  	_ =	shalt  }
0x70: {  	_ =	shalt  }
0x71: {  	_ =	shalt  }
0x72: {  	_ =	shalt  }
0x73: {  	_ =	shalt  }
0x74: {  	_ =	shalt  }
0x75: {  	_ =	shalt  }
0x76: {  	_ =	shalt  }
0x77: {  	_ =	shalt  }
0x78: {  	_ =	shalt  }
0x79: {  	_ =	shalt  }
0x7a: {  	_ =	shalt  }
0x7b: {  	_ =	shalt  }
0x7c: {  	_ =	shalt  }
0x7d: {  	_ =	shalt  }
0x7e: {  	_ =	shalt  }
0x7f: {  	_ =	shalt  }
0x80: {  	_ =	shalt  }
0x81: {  	_ =	shalt  }
0x82: {  	_ =	shalt  }
0x83: {  	_ =	shalt  }
0x84: {  	_ =	shalt  }
0x85: {  	_ =	shalt  }
0x86: {  	_ =	shalt  }
0x87: {  	_ =	shalt  }
.Lfunc_end0:
.L_simem_size_0:
called_computation_lowered:
.L_overlay_start_0:
0x88: {  	s2 =	sld [smem:$0x3FD9]  }
0x89: {  	s3 =	sld [smem:$0x3FFE];
	_ =	sdelay $0x1  }
0x8a: {  	s1 =	srdreg.scid  }
0x8b: {  	s0 =	sand.u32 $0x1, s1  }
0x8c: {  	s16 =	sshll.u32 s0, $0xA;
	s2 =	sadd.s32 s3, s2  }
0x8d: {  	s2 =	sadd.s32 s2, s16  }
0x8e: {  	[smem:$0x3FC2] =	sst s2  }
0x8f: {  	_ = 	snop  }
0x90: {  	(tm) =	ssettm $0x1  }
0x91: {  	s17 =	sld [smem:$0x3FFB];
	_ =	sdelay $0x3  }
0x92: {  	_ =	strace s17  }
0x93: {  	s2 =	sld [smem:$0x3FFC];
	_ =	sdelay $0x3  }
0x94: {  	_ =	strace s2  }
0x95: {  	s2 =	sld [smem:$0x3FFD];
	_ =	sdelay $0x3  }
0x96: {  	_ =	strace s2  }
0x97: {  	_ =	strace $0x8FFFFFFF  }
0x98: {  	s18 =	sld [smem:$0x3FDB];
	_ =	sdelay $0x1  }
0x99: {  	s19 =	simm.s32 $_scs_section_size  }
0x9a: {  	s4 =	simm.s32 $_size__tile_overlayer_lowered;
	s5 =	simm.s32 $_tile_overlayer_lowered  }
0x9b: {  	s22 =	simm.s32 $0x1BFF;
	s21 =	sshll.u32 s5, $0x1;
	s2 =	sadd.s32 s19, s18  }
0x9c: {  	s6 =	simm.s32 $0x0;
	s20 =	sshll.u32 s4, $0x1;
	s4 =	sadd.s32 s21, s2  }
0x9d: {  	[timem:s6], [sflag:s22] =	dma.local [hbm:s4], s20  }
0x9e: {  	_ =	swait.ge [sflag:s22], s20  }
0x9f: {  	s3 =	ssub.s32 $0x0, s20;
	[sflag:s22] =	ssyncset.done $0x0  }
0xa0: {  	[sflag:s22] =	ssyncadd.s32 s3;
	_ =	sdelay $0x1  }
0xa1: {  	s23 =	simm.s32 $0x1B8B  }
0xa2: {  	_ =	swait.ge [sflag:s23], $0x1  }
0xa3: {  	[sflag:s23] =	ssyncset.done $0x0  }
0xa4: {  	s25 =	simm.s32 $0x1B8E;
	s24 =	sld [smem:$0x3FFE];
	[sflag:s23] =	ssyncadd.s32 $0xFFFFFFFF  }
0xa5: {  	s26 =	simm.s32 $execute0_lowered;
	[smem:$0x3FD2] =	sst s25  }
0xa6: {  	s4 =	sshll.u32 s26, $0x1;
	_ =	strace $0x80000046;
	[dreg:$0x1] =	wrdreg $0xFFFFFFFF  }
0xa7: {  	s28 =	simm.s32 $_size_execute0_lowered;
	s2 =	sadd.s32 s2, s4;
	[dreg:$0x0] =	wrdreg $0x0  }
0xa8: {  	s4 =	sshll.u32 s28, $0x1;
	[dreg:$0x2] =	wrdreg s2  }
0xa9: {  	[dreg:$0x3] =	wrdreg s4  }
0xaa: {  	[dreg:$0x4] =	wrdreg $0xC0  }
0xab: {  	_ =	task [dreg:s6], $0x5FFFF  }
0xac: {  	[dreg:$0x1] =	wrdreg $0xFFFFFFFF  }
0xad: {  	[dreg:$0x0] =	wrdreg $0x60  }
0xae: {  	[dreg:$0x2] =	wrdreg s24  }
0xaf: {  	[dreg:$0x3] =	wrdreg $0x68000  }
0xb0: {  	[dreg:$0x4] =	wrdreg $0x9  }
0xb1: {  	_ =	task.clear_ibuf [dreg:s6], $0x5FFFF;
	_ =	strace $0x90000046  }
0xb2: {  	s29 =	simm.s32 $0x9;
	_ =	strace $0x80000048  }
0xb3: {  	_ =	swait.ge [sflag:s29], $0x1  }
0xb4: {  	[sflag:s29] =	ssyncadd.s32 $0xFFFFFFFF  }
0xb5: {  	_ =	strace $0x90000048  }
0xb6: {  	_ =	sfence  }
0xb7: {  	s30 =	sld [smem:$0x0];
	_ =	sdelay $0x2  }
0xb8: {  	s31 =	sshll.u32 s1, $0xD;
	s1 =	sshrl.u32 s1, $0x2  }
0xb9: {  	s3 =	sand.u32 $0x4000, s31;
	s1 =	sadd.s32 s1, s30  }
0xba: {  	s0 =	sor.u32 s3, s0;
	s1 =	sshll.u32 s1, $0x11  }
0xbb: {  	s0 =	sor.u32 s1, s0  }
0xbc: {  	s0 =	sadd.s32 $0x8F2B, s0  }
0xbd: {  	[sflag:s0] =	ssyncadd.remote.s32 $0x1  }
0xbe: {  	_ =	sfence.sel $0xFFFF  }
0xbf: {  	[dreg:$0x0] =	wrdreg $0xFFFFFFFF;
	(pc) =	sbr.abs _section_cstart, $3  }
0xc0: {  	[dreg:$0x1] =	wrdreg $0xFFFFFFFF  }
0xc1: {  	_ =	task.clear_ibuf [dreg:s6], $0x2FFFF;
	_ =	strace $0x9FFFFFFF  }
0xc2: {  	(tm) =	ssettm $0x7FFFFFFF  }
0xc3: {  	_ =	shalt  }
tec
execute0_lowered:
.L_overlay_start_1:
0x0: {  	(tag) =	ssettag $0x1  }
0x1: {  	s6 =	rddreg [dreg:$0x0]  }
0x2: {  	s2 =	rddreg [dreg:$0x1]  }
0x3: {  	s0 =	rddreg [dreg:$0x2]  }
0x4: {  	s1 =	stileid.u32;
	s5 =	srdreg.scid  }
0x5: {  	s3 =	simm.s32 $0x0;
	s14 =	simm.s32 $0x80;
	s4 =	smul.u32 $0x500, s1  }
0x6: {  	s15 =	simm.s32 $0x0;
	s7 =	sand.u32 $0x1, s5;
	s29 =	smul.u32 $0x2800, s1  }
0x7: {  	[smem:$0x7FF] =	sst s3;
	s11 =	smul.u32 $0x50000, s1;
	s5 =	sadd.s32 $0x6600, s6  }
0x8: {  	s31 =	sshll.u32 s1, $0x6;
	s8 =	smul.u32 $0x28000, s7;
	_ =	strace $0x80000047  }
0x9: {  	s10 =	ssub.s32 $0x2, s7;
	s12 =	smul.u32 $0x5000, s7;
	s9 =	sadd.s32 s4, s6  }
0xa: {  	s4 =	sadd.s32 $0x8E00, s6;
	s30 =	sshrl.u32 s10, $0x1;
	s11 =	sshrl.u32 s11, $0x2  }
0xb: {  	s8 =	sadd.s32 s29, s8;
	s10 =	ssub.s32 s10, s30;
	s13 =	sadd.s32 s11, s2  }
0xc: {  	s11 =	simm.s32 $0x2800;
	s8 =	sadd.s32 s8, s6;
	s6 =	sadd.s32 $0x1600, s9  }
0xd: {  	s9 =	sshrl.u32 s12, $0x2;
	s12 =	sor.u32 $0x1C01, s31;
	s13 =	sshrl.u32 s13, $0x3  }
0xe: {  	s7 =	sadd.s32 $0x9600, s8;
	s8 =	smax.u32 s10, $0x1;
	s10 =	simm.s32 $0x1  }
.LBB2_1:
0xf: {  	[tilespmem:s3], [sflag:$0x1] =	stream.linear.gather [hbm4b:s6+s3], $0x2800, $0x38;
	[tilespmem:$0x1A800] =	vst v63  }
0x10: {  	_ =	swait.ge [sflag:s10], $0x2800  }
0x11: {  	[sflag:s10] =	ssyncset.done $0x0  }
0x12: {  	[sflag:s10] =	ssyncadd.s32 $0xFFFFD800  }
0x13: {  	[tilespmem:s11], [sflag:$0x1] =	stream.linear.gather [hbm4b:s4+s3], $0x4000, $0x38;
	[tilespmem:$0x1A800] =	vst v63  }
0x14: {  	_ =	swait.ge [sflag:s10], $0x4000  }
0x15: {  	[sflag:s10] =	ssyncset.done $0x0  }
0x16: {  	[sflag:s10] =	ssyncadd.s32 $0xFFFFC000  }
0x17: {  	[spmem:s13], [sflag:s12] =	dma.local [hbm:s5], $0x2800  }
0x18: {  	_ =	swait.ge [sflag:s10], $0x2800  }
0x19: {  	[sflag:s10] =	ssyncset.done $0x0  }
0x1a: {  	[sflag:s10] =	ssyncadd.s32 $0xFFFFD800  }
0x1b: {  	s16 =	sadd.s32 $0x0, s9;
	[bflag:$0x0] =	sbarrier.arrive $0xFFFF  }
0x1c: {  	[spmem:s2] =	stream.indirect.scatter.add.f32 [tilespmem:s11], [sflag:$0x1], $0x80, s16, s14, $0xb8;
	[tilespmem:$0x1A800] =	vst v63  }
0x1d: {  	s16 =	simm.s32 $0x200;
	_ =	swait.ge [sflag:s10], $0x4000  }
.LBB2_2:
0x1e: {  	s17 =	sshra.s32 s16, $0x2;
	[sflag:s10] =	ssyncset.done $0x0;
	p0 =	sne.s32 s16, $0x4E00  }
.Ltmp0:
0x1f: {  	s17 =	sadd.s32 s17, s9;
	[sflag:s10] =	ssyncadd.s32 $0xFFFFC000;
	(pc) =	sbr.rel @p0 .LBB2_2-.Ltmp0, $3  }
0x20: {  	[spmem:s2] =	stream.indirect.scatter.add.f32 [tilespmem:s11], [sflag:$0x1], $0x80, s17, s14, $0xb8;
	[tilespmem:$0x1A800] =	vst v63  }
0x21: {  	s16 =	sadd.s32 $0x200, s16;
	_ =	sdelay $0x1  }
0x22: {  	_ =	swait.ge [sflag:s10], $0x4000  }
0x23: {  	[sflag:s10] =	ssyncset.done $0x0;
	s15 =	sadd.s32 $0x1, s15  }
0x24: {  	[sflag:s10] =	ssyncadd.s32 $0xFFFFC000;
	p0 =	sne.s32 s15, s8  }
.Ltmp1:
0x25: {  	[bflag:$0x0] =	sbarrier.arrive $0xFFFF;
	(pc) =	sbr.rel @p0 .LBB2_1-.Ltmp1, $4  }
0x26: {  	[hbm:s7], [sflag:s12] =	dma.local [spmem:s13], $0x2800  }
0x27: {  	_ =	swait.ge [sflag:s10], $0x2800  }
0x28: {  	[sflag:s10] =	ssyncset.done $0x0  }
0x29: {  	[sflag:s10] =	ssyncadd.s32 $0xFFFFD800  }
0x2a: {  	_ =	sfence.sel $0x180000  }
0x2b: {  	[bflag:$0x0] =	sbarrier.arrive $0xFFFF  }
0x2c: {  	p0 =	sne.s32 s1, $0x0;
	_ =	strace $0x90000047  }
0x2d: {  	s0 =	sadd.s32 @!p0 $0x100000, s0;
	[bflag:$0x2] =	sbarrier.arrive $0xFFFF  }
0x2e: {  	[sflag:s0] =	ssyncadd.tile.s32 @!p0 $0x1;
	_ =	shalt  }
.Lfunc_end2:
_tile_overlayer_lowered:
.L_overlay_start_2:
0x2f: {  	(tag) =	ssettag $0x2  }
0x30: {  	s0 =	rddreg [dreg:$0x0];
	s2 =	stileid.u32  }
0x31: {  	s1 =	rddreg [dreg:$0x1];
	p0 =	sne.s32 s2, $0x0  }
0x32: {  	s3 =	rddreg [dreg:$0x2];
	[bflag:$0x3] =	sbarrier.arrive $0xFFFF;
	s2 =	simm.s32 @!p0 $0x1C01  }
0x33: {  	[timem:s3], [sflag:s2] =	dma.local @!p0 [hbm:s0], s1  }
0x34: {  	s0 =	simm.s32 @!p0 $0x1  }
0x35: {  	_ =	swait.ge @!p0 [sflag:s0], s1  }
0x36: {  	s1 =	ssub.s32 @!p0 $0x0, s1;
	[sflag:s0] =	ssyncset.done @!p0 $0x0  }
0x37: {  	[sflag:s0] =	ssyncadd.s32 @!p0 s1  }
0x38: {  	[bflag:$0x3] =	sbarrier.arrive $0xFFFF  }
0x39: {  	_ =	shalt  }

</sc_bundles>
